<compile_context>
chip_gen: v7x
topology: tpu7x:2x2x1
jax: 0.10.2.dev20260603
libtpu: 0.0.44.dev20260713+nightly
codegen_flags: <defaults>
</compile_context>

<pallas_src>
import functools

import jax
import jax.numpy as jnp
from jax import lax
from jax.experimental import pallas as pl
from jax.experimental.pallas import tpu as pltpu
from jax.experimental.pallas import tpu_sc as plsc

B, S, D = 4, 4096, 1024
A = 1024
H = 16
K = 1024

_f32 = jnp.float32
_CONTRACT_LAST = (((1,), (1,)), ((), ()))


_bf16 = jnp.bfloat16


def _r16(x):
    return x.astype(_bf16).astype(_f32)


def _matvec_body(w_ref, v_ref, o_ref):
    o_ref[...] = lax.dot_general(
        _r16(w_ref[...]), v_ref[...], _CONTRACT_LAST,
        preferred_element_type=_f32,
        precision=lax.Precision.HIGHEST)


def _u0_call(w, v2):
    return pl.pallas_call(
        _matvec_body,
        out_shape=jax.ShapeDtypeStruct((D, 1), _f32),
    )(w, v2)


def _s0_body(mem_ref, u_ref, o_ref):
    o_ref[0, 0] = lax.dot_general(
        _r16(mem_ref[0]), u_ref[...], _CONTRACT_LAST,
        preferred_element_type=_f32,
        precision=lax.Precision.HIGHEST)


def _s0_call(memory, u0r):
    nc = 4
    return pl.pallas_call(
        _s0_body,
        grid=(B, nc),
        in_specs=[
            pl.BlockSpec((1, S // nc, D), lambda b, c: (b, c, 0)),
            pl.BlockSpec((1, D), lambda b, c: (0, 0)),
        ],
        out_specs=pl.BlockSpec((1, 1, S // nc, 1), lambda b, c: (b, c, 0, 0)),
        out_shape=jax.ShapeDtypeStruct((B, nc, S // nc, 1), _f32),
    )(memory, u0r)


def _u_heads_body(ws_ref, vs_ref, o_ref):
    o_ref[0] = lax.dot_general(
        _r16(ws_ref[0]), vs_ref[0], _CONTRACT_LAST,
        preferred_element_type=_f32,
        precision=lax.Precision.HIGHEST)


def _u_heads_call(ws, vs3):
    return pl.pallas_call(
        _u_heads_body,
        grid=(H,),
        in_specs=[
            pl.BlockSpec((1, A, A), lambda h: (h, 0, 0)),
            pl.BlockSpec((1, 1, A), lambda h: (h, 0, 0)),
        ],
        out_specs=pl.BlockSpec((1, A, 1), lambda h: (h, 0, 0)),
        out_shape=jax.ShapeDtypeStruct((H, A, 1), _f32),
    )(ws, vs3)


_TOPK_CH = 512


def _topk_body(srow_ref, scol_ref, o_ref):
    row = srow_ref[0]
    jj = lax.broadcasted_iota(jnp.int32, (1, S), 1)
    rr = lax.broadcasted_iota(jnp.int32, (1, K), 1).astype(_f32)

    def body(c, acc):
        sc = scol_ref[0, pl.ds(c * _TOPK_CH, _TOPK_CH), :]
        ii = c * _TOPK_CH + lax.broadcasted_iota(
            jnp.int32, (_TOPK_CH, 1), 0)
        gt = row > sc
        eq = (row == sc) & (jj < ii)
        cnt = jnp.sum(jnp.where(gt | eq, 1.0, 0.0),
                      axis=1, keepdims=True)
        match = cnt == rr
        contrib = jnp.sum(jnp.where(match, ii.astype(_f32), 0.0),
                          axis=0, keepdims=True)
        return acc + contrib

    acc = lax.fori_loop(0, S // _TOPK_CH, body, jnp.zeros((1, K), _f32))
    base = (pl.program_id(0) * S).astype(_f32)
    o_ref[0] = (acc + base).astype(jnp.int32)


def _topk_call(s_row, s_col):
    return pl.pallas_call(
        _topk_body,
        grid=(B,),
        in_specs=[
            pl.BlockSpec((1, 1, S), lambda b: (b, 0, 0)),
            pl.BlockSpec((1, S, 1), lambda b: (b, 0, 0)),
        ],
        out_specs=pl.BlockSpec((1, 1, K), lambda b: (b, 0, 0)),
        out_shape=jax.ShapeDtypeStruct((B, 1, K), jnp.int32),
    )(s_row, s_col)


_SC_NC, _SC_NS = 2, 16
_SC_NW = _SC_NC * _SC_NS
_ROWS_PER_W = (B * K) // _SC_NW
_GCHUNK = 64


def _sc_gather(mem_flat, gidx):
    mesh = plsc.VectorSubcoreMesh(
        core_axis_name="c", subcore_axis_name="s",
        num_cores=_SC_NC, num_subcores=_SC_NS)

    @functools.partial(
        pl.kernel,
        mesh=mesh,
        out_type=jax.ShapeDtypeStruct((B * K, D), _f32),
        scratch_types=[
            pltpu.VMEM((_GCHUNK,), jnp.int32),
            pltpu.VMEM((_GCHUNK, D), _f32),
            pltpu.SemaphoreType.DMA,
        ],
    )
    def gather_kernel(mem_hbm, idx_hbm, out_hbm, idx_v, rows_v, sem):
        wid = lax.axis_index("s") * _SC_NC + lax.axis_index("c")
        base = wid * _ROWS_PER_W
        for ch in range(_ROWS_PER_W // _GCHUNK):
            off = base + ch * _GCHUNK
            pltpu.sync_copy(idx_hbm.at[pl.ds(off, _GCHUNK)], idx_v)
            pltpu.async_copy(mem_hbm.at[idx_v], rows_v, sem).wait()
            pltpu.sync_copy(rows_v, out_hbm.at[pl.ds(off, _GCHUNK)])

    return gather_kernel(mem_flat, gidx)


def _attn_body(gv_ref, w_ref, b_ref, v_ref, u_ref, attn_ref, prob_ref):
    g = gv_ref[0].astype(_bf16)
    wb = w_ref[...].astype(_bf16)
    val = (lax.dot_general(g, wb, (((1,), (0,)), ((), ())),
                           preferred_element_type=_f32)
           + b_ref[...]) * v_ref[...]
    s1 = lax.dot_general(u_ref[...], _r16(val), _CONTRACT_LAST,
                         preferred_element_type=_f32,
                         precision=lax.Precision.HIGHEST)
    m = jnp.max(s1, axis=1, keepdims=True)
    e = jnp.exp(s1 - m)
    z = jnp.sum(e, axis=1, keepdims=True)
    p = e / z
    prob_ref[0] = p
    attn_ref[0] = lax.dot_general(p, val, (((1,), (0,)), ((), ())),
                                  preferred_element_type=_f32,
                                  precision=lax.Precision.HIGHEST)


def _attn_call(gv3, w, b2, v2, U2):
    return pl.pallas_call(
        _attn_body,
        grid=(B,),
        in_specs=[
            pl.BlockSpec((1, K, D), lambda b: (b, 0, 0)),
            pl.BlockSpec((D, A), lambda b: (0, 0)),
            pl.BlockSpec((1, A), lambda b: (0, 0)),
            pl.BlockSpec((1, A), lambda b: (0, 0)),
            pl.BlockSpec((H, A), lambda b: (0, 0)),
        ],
        out_specs=[
            pl.BlockSpec((1, H, A), lambda b: (b, 0, 0)),
            pl.BlockSpec((1, H, K), lambda b: (b, 0, 0)),
        ],
        out_shape=[
            jax.ShapeDtypeStruct((B, H, A), _f32),
            jax.ShapeDtypeStruct((B, H, K), _f32),
        ],
    )(gv3, w, b2, v2, U2)


def kernel(memory, w, b, v, ws, bs, vs):
    del bs
    v2 = v.reshape(1, A)
    vs3 = vs.reshape(H, 1, A)
    b2 = b.reshape(1, A)

    u0 = _u0_call(w, v2).reshape(1, D)
    s0 = _s0_call(memory, u0).reshape(B, S)
    gidx = _topk_call(s0.reshape(B, 1, S), s0.reshape(B, S, 1))
    gv = _sc_gather(memory.reshape(B * S, D), gidx.reshape(B * K))
    U2 = _u_heads_call(ws, vs3).reshape(H, A)
    attn, prob = _attn_call(gv.reshape(B, K, D), w, b2, v2, U2)
    return attn, prob

# --- scband reference (transcript-rebuilt; emitter-appended) ---
"""Pipeline reference for scband-attn-layer-73821897883847 (READ-ONLY COPY).

The authoritative reference and input builder live on the scoring server;
editing this copy changes nothing except your own understanding.
"""

import jax, jax.numpy as jnp
import numpy as np

B, S, D = 4, 4096, 1024
ATTN_SIZE = 1024
NUM_HEADS = 16
TOP_K = 1024


def setup_inputs(seed: int = 0) -> dict:
    key = jax.random.key(seed)
    ks = jax.random.split(key, 6)
    memory = jax.random.normal(ks[0], (B, S, D), dtype=jnp.float32)
    w = jax.random.normal(ks[1], (D, ATTN_SIZE), dtype=jnp.float32) * (1.0 / np.sqrt(D))
    b = jnp.zeros((ATTN_SIZE,), dtype=jnp.float32)
    v = jax.random.normal(ks[2], (1, 1, ATTN_SIZE), dtype=jnp.float32) * (1.0 / np.sqrt(ATTN_SIZE))
    ws = jax.random.normal(ks[3], (NUM_HEADS, ATTN_SIZE, ATTN_SIZE), dtype=jnp.float32) * (1.0 / np.sqrt(ATTN_SIZE))
    bs = jnp.zeros((NUM_HEADS, ATTN_SIZE), dtype=jnp.float32)
    vs = jax.random.normal(ks[4], (NUM_HEADS, 1, 1, ATTN_SIZE), dtype=jnp.float32) * (1.0 / np.sqrt(ATTN_SIZE))
    return {"memory": memory, "w": w, "b": b, "v": v, "ws": ws, "bs": bs, "vs": vs}


def reference(memory, w, b, v, ws, bs, vs):
    # lin0 = (memory @ w + b) * v  -> [B, S, A]
    lin0 = (jnp.einsum('bsd,da->bsa', memory, w) + b) * v
    # token selection scores
    probs0 = jax.nn.softmax(jnp.sum(lin0, axis=-1), axis=-1)  # [B, S]
    topk = min(TOP_K, lin0.shape[1])
    _, idx = jax.lax.top_k(probs0, topk)  # [B, topk] (unsorted in TF ref; order irrelevant to math)
    # gather_nd equivalent: gather top-k token rows per batch
    vals = jnp.take_along_axis(lin0, idx[..., None], axis=1)  # [B, topk, A]
    # per-head attention over the selected tokens (heads vectorized)
    lin1 = jnp.einsum('bta,hao->bhto', vals, ws) + bs[None, :, None, :]
    lin1 = lin1 * vs.reshape(1, NUM_HEADS, 1, ATTN_SIZE)
    prob = jax.nn.softmax(jnp.sum(lin1, axis=-1), axis=-1)  # [B, H, topk]
    attn = jnp.sum(prob[..., None] * vals[:, None, :, :], axis=2)  # [B, H, A]
    return attn, prob

if __name__ == "__main__":
    import jax
    _d = setup_inputs()
    print(jax.jit(kernel)(*tuple(_d.values())))

</pallas_src>

<mosaic_0001>
#map = affine_map<(d0, d1) -> (0, 0)>
#map1 = affine_map<(d0, d1) -> (0)>
module attributes {stable_mosaic.version = 14 : i64} {
  func.func @gather_kernel(%arg0: i32, %arg1: i32, %arg2: memref<16384x1024xf32, #tpu.memory_space<hbm>>, %arg3: memref<4096xi32, #tpu.memory_space<hbm>>, %arg4: memref<4096x1024xf32, #tpu.memory_space<hbm>>, %arg5: memref<64xi32, #tpu.memory_space<vmem>>, %arg6: memref<64x1024xf32, #tpu.memory_space<vmem>>, %arg7: memref<!tpu.dma_semaphore, #tpu.memory_space<semaphore_mem>>) attributes {dimension_semantics = [#tpu.dimension_semantics<core_parallel>, #tpu.dimension_semantics<subcore_parallel>], iteration_bounds = array<i64: 2, 16>, scalar_prefetch = 0 : i64, scratch_operands = 3 : i64, tpu.core_type = #tpu.core_type<sc_vector_subcore>, window_params = [{transform_indices = #map}, {transform_indices = #map1}, {transform_indices = #map}]} {
    %mul3A = arith.constant 2 : i32
    %mul3A_0 = arith.muli %arg1, %mul3A : i32
    %add3A = arith.addi %mul3A_0, %arg0 : i32
    %mul3A_1 = arith.constant 128 : i32
    %mul3A_2 = arith.muli %add3A, %mul3A_1 : i32
    %add3A_3 = arith.constant 0 : i32
    %add3A_4 = arith.addi %mul3A_2, %add3A_3 : i32
    "tpu.region"() ({
      %run_scoped3A = tpu.sem_alloc : memref<!tpu.dma_semaphore, #tpu.memory_space<semaphore_mem>>
      %dma_start3A_17 = tpu.memref_slice %arg3[%add3A_4] : memref<4096xi32, #tpu.memory_space<hbm>> -> memref<64xi32, #tpu.memory_space<hbm>>
      %dma_start3A_18 = tpu.memref_slice %arg3[%add3A_4] : memref<4096xi32, #tpu.memory_space<hbm>> -> memref<64xi32, #tpu.memory_space<hbm>>
      tpu.enqueue_dma source(%dma_start3A_18 : memref<64xi32, #tpu.memory_space<hbm>>) target(%arg5 : memref<64xi32, #tpu.memory_space<vmem>>) target_semaphore(%run_scoped3A : memref<!tpu.dma_semaphore, #tpu.memory_space<semaphore_mem>>)
      %dma_wait3A_19 = tpu.memref_slice %arg3[%add3A_4] : memref<4096xi32, #tpu.memory_space<hbm>> -> memref<64xi32, #tpu.memory_space<hbm>>
      %dma_wait3A_20 = tpu.memref_slice %arg3[%add3A_4] : memref<4096xi32, #tpu.memory_space<hbm>> -> memref<64xi32, #tpu.memory_space<hbm>>
      tpu.wait_dma2 semaphore(%run_scoped3A : memref<!tpu.dma_semaphore, #tpu.memory_space<semaphore_mem>>) src(%dma_wait3A_20 : memref<64xi32, #tpu.memory_space<hbm>>) dst(%arg5 : memref<64xi32, #tpu.memory_space<vmem>>)
      tpu.yield
    }) : () -> ()
    %dma_start3A = arith.constant 0 : i32
    %dma_start3A_5 = arith.constant 0 : i32
    %dma_start3A_6 = tpu.memref_slice %arg2[%dma_start3A, %dma_start3A_5] : memref<16384x1024xf32, #tpu.memory_space<hbm>> -> memref<16384x1024xf32, #tpu.memory_space<hbm>>
    tpu.enqueue_indirect_dma source(%dma_start3A_6 : memref<16384x1024xf32, #tpu.memory_space<hbm>>) target(%arg6 : memref<64x1024xf32, #tpu.memory_space<vmem>>) offsets(%arg5 : memref<64xi32, #tpu.memory_space<vmem>>) semaphore(%arg7 : memref<!tpu.dma_semaphore, #tpu.memory_space<semaphore_mem>>)
    %dma_wait3A = arith.constant 0 : i32
    %dma_wait3A_7 = arith.constant 0 : i32
    %dma_wait3A_8 = tpu.memref_slice %arg2[%dma_wait3A, %dma_wait3A_7] : memref<16384x1024xf32, #tpu.memory_space<hbm>> -> memref<16384x1024xf32, #tpu.memory_space<hbm>>
    tpu.wait_indirect_dma semaphore(%arg7 : memref<!tpu.dma_semaphore, #tpu.memory_space<semaphore_mem>>) src(%dma_wait3A_8 : memref<16384x1024xf32, #tpu.memory_space<hbm>>) dst(%arg6 : memref<64x1024xf32, #tpu.memory_space<vmem>>)
    "tpu.region"() ({
      %run_scoped3A = tpu.sem_alloc : memref<!tpu.dma_semaphore, #tpu.memory_space<semaphore_mem>>
      %dma_start3A_17 = arith.constant 0 : i32
      %dma_start3A_18 = tpu.memref_slice %arg4[%add3A_4, %dma_start3A_17] : memref<4096x1024xf32, #tpu.memory_space<hbm>> -> memref<64x1024xf32, #tpu.memory_space<hbm>>
      %dma_start3A_19 = arith.constant 0 : i32
      %dma_start3A_20 = tpu.memref_slice %arg4[%add3A_4, %dma_start3A_19] : memref<4096x1024xf32, #tpu.memory_space<hbm>> -> memref<64x1024xf32, #tpu.memory_space<hbm>>
      tpu.enqueue_dma source(%arg6 : memref<64x1024xf32, #tpu.memory_space<vmem>>) target(%dma_start3A_20 : memref<64x1024xf32, #tpu.memory_space<hbm>>) target_semaphore(%run_scoped3A : memref<!tpu.dma_semaphore, #tpu.memory_space<semaphore_mem>>)
      %dma_wait3A_21 = arith.constant 0 : i32
      %dma_wait3A_22 = tpu.memref_slice %arg4[%add3A_4, %dma_wait3A_21] : memref<4096x1024xf32, #tpu.memory_space<hbm>> -> memref<64x1024xf32, #tpu.memory_space<hbm>>
      %dma_wait3A_23 = arith.constant 0 : i32
      %dma_wait3A_24 = tpu.memref_slice %arg4[%add3A_4, %dma_wait3A_23] : memref<4096x1024xf32, #tpu.memory_space<hbm>> -> memref<64x1024xf32, #tpu.memory_space<hbm>>
      tpu.wait_dma2 semaphore(%run_scoped3A : memref<!tpu.dma_semaphore, #tpu.memory_space<semaphore_mem>>) src(%arg6 : memref<64x1024xf32, #tpu.memory_space<vmem>>) dst(%dma_wait3A_24 : memref<64x1024xf32, #tpu.memory_space<hbm>>)
      tpu.yield
    }) : () -> ()
    %add3A_9 = arith.constant 64 : i32
    %add3A_10 = arith.addi %mul3A_2, %add3A_9 : i32
    "tpu.region"() ({
      %run_scoped3A = tpu.sem_alloc : memref<!tpu.dma_semaphore, #tpu.memory_space<semaphore_mem>>
      %dma_start3A_17 = tpu.memref_slice %arg3[%add3A_10] : memref<4096xi32, #tpu.memory_space<hbm>> -> memref<64xi32, #tpu.memory_space<hbm>>
      %dma_start3A_18 = tpu.memref_slice %arg3[%add3A_10] : memref<4096xi32, #tpu.memory_space<hbm>> -> memref<64xi32, #tpu.memory_space<hbm>>
      tpu.enqueue_dma source(%dma_start3A_18 : memref<64xi32, #tpu.memory_space<hbm>>) target(%arg5 : memref<64xi32, #tpu.memory_space<vmem>>) target_semaphore(%run_scoped3A : memref<!tpu.dma_semaphore, #tpu.memory_space<semaphore_mem>>)
      %dma_wait3A_19 = tpu.memref_slice %arg3[%add3A_10] : memref<4096xi32, #tpu.memory_space<hbm>> -> memref<64xi32, #tpu.memory_space<hbm>>
      %dma_wait3A_20 = tpu.memref_slice %arg3[%add3A_10] : memref<4096xi32, #tpu.memory_space<hbm>> -> memref<64xi32, #tpu.memory_space<hbm>>
      tpu.wait_dma2 semaphore(%run_scoped3A : memref<!tpu.dma_semaphore, #tpu.memory_space<semaphore_mem>>) src(%dma_wait3A_20 : memref<64xi32, #tpu.memory_space<hbm>>) dst(%arg5 : memref<64xi32, #tpu.memory_space<vmem>>)
      tpu.yield
    }) : () -> ()
    %dma_start3A_11 = arith.constant 0 : i32
    %dma_start3A_12 = arith.constant 0 : i32
    %dma_start3A_13 = tpu.memref_slice %arg2[%dma_start3A_11, %dma_start3A_12] : memref<16384x1024xf32, #tpu.memory_space<hbm>> -> memref<16384x1024xf32, #tpu.memory_space<hbm>>
    tpu.enqueue_indirect_dma source(%dma_start3A_13 : memref<16384x1024xf32, #tpu.memory_space<hbm>>) target(%arg6 : memref<64x1024xf32, #tpu.memory_space<vmem>>) offsets(%arg5 : memref<64xi32, #tpu.memory_space<vmem>>) semaphore(%arg7 : memref<!tpu.dma_semaphore, #tpu.memory_space<semaphore_mem>>)
    %dma_wait3A_14 = arith.constant 0 : i32
    %dma_wait3A_15 = arith.constant 0 : i32
    %dma_wait3A_16 = tpu.memref_slice %arg2[%dma_wait3A_14, %dma_wait3A_15] : memref<16384x1024xf32, #tpu.memory_space<hbm>> -> memref<16384x1024xf32, #tpu.memory_space<hbm>>
    tpu.wait_indirect_dma semaphore(%arg7 : memref<!tpu.dma_semaphore, #tpu.memory_space<semaphore_mem>>) src(%dma_wait3A_16 : memref<16384x1024xf32, #tpu.memory_space<hbm>>) dst(%arg6 : memref<64x1024xf32, #tpu.memory_space<vmem>>)
    "tpu.region"() ({
      %run_scoped3A = tpu.sem_alloc : memref<!tpu.dma_semaphore, #tpu.memory_space<semaphore_mem>>
      %dma_start3A_17 = arith.constant 0 : i32
      %dma_start3A_18 = tpu.memref_slice %arg4[%add3A_10, %dma_start3A_17] : memref<4096x1024xf32, #tpu.memory_space<hbm>> -> memref<64x1024xf32, #tpu.memory_space<hbm>>
      %dma_start3A_19 = arith.constant 0 : i32
      %dma_start3A_20 = tpu.memref_slice %arg4[%add3A_10, %dma_start3A_19] : memref<4096x1024xf32, #tpu.memory_space<hbm>> -> memref<64x1024xf32, #tpu.memory_space<hbm>>
      tpu.enqueue_dma source(%arg6 : memref<64x1024xf32, #tpu.memory_space<vmem>>) target(%dma_start3A_20 : memref<64x1024xf32, #tpu.memory_space<hbm>>) target_semaphore(%run_scoped3A : memref<!tpu.dma_semaphore, #tpu.memory_space<semaphore_mem>>)
      %dma_wait3A_21 = arith.constant 0 : i32
      %dma_wait3A_22 = tpu.memref_slice %arg4[%add3A_10, %dma_wait3A_21] : memref<4096x1024xf32, #tpu.memory_space<hbm>> -> memref<64x1024xf32, #tpu.memory_space<hbm>>
      %dma_wait3A_23 = arith.constant 0 : i32
      %dma_wait3A_24 = tpu.memref_slice %arg4[%add3A_10, %dma_wait3A_23] : memref<4096x1024xf32, #tpu.memory_space<hbm>> -> memref<64x1024xf32, #tpu.memory_space<hbm>>
      tpu.wait_dma2 semaphore(%run_scoped3A : memref<!tpu.dma_semaphore, #tpu.memory_space<semaphore_mem>>) src(%arg6 : memref<64x1024xf32, #tpu.memory_space<vmem>>) dst(%dma_wait3A_24 : memref<64x1024xf32, #tpu.memory_space<hbm>>)
      tpu.yield
    }) : () -> ()
    return
  }
}

module attributes {stable_mosaic.version = 14 : i64} {
  func.func @_matvec_body(%arg0: memref<1024x1024xf32, #tpu.memory_space<vmem>>, %arg1: memref<1x1024xf32, #tpu.memory_space<vmem>>, %arg2: memref<1024x1xf32, #tpu.memory_space<vmem>>) attributes {dimension_semantics = [], scalar_prefetch = 0 : i64, scratch_operands = 0 : i64, tpu.core_type = #tpu.core_type<tc>} {
    %get3A = arith.constant 0 : index
    %get3A_0 = arith.constant 0 : index
    %get3A_1 = vector.load %arg0[%get3A, %get3A_0] : memref<1024x1024xf32, #tpu.memory_space<vmem>>, vector<1024x1024xf32>
    %convert_element_type3A = arith.truncf %get3A_1 : vector<1024x1024xf32> to vector<1024x1024xbf16>
    %convert_element_type3A_2 = arith.extf %convert_element_type3A : vector<1024x1024xbf16> to vector<1024x1024xf32>
    %get3A_3 = arith.constant 0 : index
    %get3A_4 = arith.constant 0 : index
    %get3A_5 = vector.load %arg1[%get3A_3, %get3A_4] : memref<1x1024xf32, #tpu.memory_space<vmem>>, vector<1x1024xf32>
    %dot_general3A = arith.constant dense<0.000000e+00> : vector<1024x1xf32>
    %dot_general3A_6 = tpu.matmul %convert_element_type3A_2, %get3A_5, %dot_general3A {dimension_numbers = #tpu.dot_dimension_numbers<[1], [1], [0], [0], [0, 0, 1, 0], [], []>, precision = #tpu.contract_precision<fp32>, transpose_lhs_hint = false} : vector<1024x1024xf32>, vector<1x1024xf32>, vector<1024x1xf32> -> vector<1024x1xf32>
    %swap3A = arith.constant 0 : index
    %swap3A_7 = arith.constant 0 : index
    %swap3A_8 = vector.load %arg2[%swap3A, %swap3A_7] : memref<1024x1xf32, #tpu.memory_space<vmem>>, vector<1024x1xf32>
    tpu.vector_store %arg2[%swap3A, %swap3A_7], %dot_general3A_6 {strides = array<i32>} : memref<1024x1xf32, #tpu.memory_space<vmem>>, vector<1024x1xf32>,
    return
  }
}

module attributes {stable_mosaic.version = 14 : i64} {
  func.func @_s0_body(%arg0: i32, %arg1: i32, %arg2: memref<1x1024x1024xf32, #tpu.memory_space<vmem>>, %arg3: memref<1x1024xf32, #tpu.memory_space<vmem>>, %arg4: memref<1x1x1024x1xf32, #tpu.memory_space<vmem>>) attributes {dimension_semantics = [#tpu.dimension_semantics<arbitrary>, #tpu.dimension_semantics<arbitrary>], iteration_bounds = array<i64: 4, 4>, scalar_prefetch = 0 : i64, scratch_operands = 0 : i64, tpu.core_type = #tpu.core_type<tc>, window_params = [{transform_indices = @transform_0, window_bounds = array<i64: 1, 1024, 1024>}, {pipeline_mode = #tpu.pipeline_mode<synchronous>, transform_indices = @transform_1, window_bounds = array<i64: 1, 1024>}, {transform_indices = @transform_2, window_bounds = array<i64: 1, 1, 1024, 1>}]} {
    %get3A = arith.constant 0 : index
    %get3A_0 = arith.constant 0 : index
    %get3A_1 = arith.constant 0 : index
    %get3A_2 = vector.load %arg2[%get3A, %get3A_0, %get3A_1] : memref<1x1024x1024xf32, #tpu.memory_space<vmem>>, vector<1x1024x1024xf32>
    %get3A_3 = vector.shape_cast %get3A_2 : vector<1x1024x1024xf32> to vector<1024x1024xf32>
    %convert_element_type3A = arith.truncf %get3A_3 : vector<1024x1024xf32> to vector<1024x1024xbf16>
    %convert_element_type3A_4 = arith.extf %convert_element_type3A : vector<1024x1024xbf16> to vector<1024x1024xf32>
    %get3A_5 = arith.constant 0 : index
    %get3A_6 = arith.constant 0 : index
    %get3A_7 = vector.load %arg3[%get3A_5, %get3A_6] : memref<1x1024xf32, #tpu.memory_space<vmem>>, vector<1x1024xf32>
    %dot_general3A = arith.constant dense<0.000000e+00> : vector<1024x1xf32>
    %dot_general3A_8 = tpu.matmul %convert_element_type3A_4, %get3A_7, %dot_general3A {dimension_numbers = #tpu.dot_dimension_numbers<[1], [1], [0], [0], [0, 0, 1, 0], [], []>, precision = #tpu.contract_precision<fp32>, transpose_lhs_hint = false} : vector<1024x1024xf32>, vector<1x1024xf32>, vector<1024x1xf32> -> vector<1024x1xf32>
    %swap3A = arith.constant 0 : index
    %swap3A_9 = arith.constant 0 : index
    %swap3A_10 = arith.constant 0 : index
    %swap3A_11 = arith.constant 0 : index
    %swap3A_12 = vector.load %arg4[%swap3A, %swap3A_9, %swap3A_10, %swap3A_11] : memref<1x1x1024x1xf32, #tpu.memory_space<vmem>>, vector<1x1x1024x1xf32>
    %swap3A_13 = vector.shape_cast %swap3A_12 : vector<1x1x1024x1xf32> to vector<1024x1xf32>
    %swap3A_14 = vector.shape_cast %dot_general3A_8 : vector<1024x1xf32> to vector<1x1x1024x1xf32>
    tpu.vector_store %arg4[%swap3A, %swap3A_9, %swap3A_10, %swap3A_11], %swap3A_14 {strides = array<i32>} : memref<1x1x1024x1xf32, #tpu.memory_space<vmem>>, vector<1x1x1024x1xf32>,
    return
  }
  func.func @transform_0(%arg0: i32, %arg1: i32) -> (i32, i32, i32) {
    %c0_i32 = arith.constant 0 : i32
    %c0_i32_0 = arith.constant 0 : i32
    return %arg0, %arg1, %c0_i32 : i32, i32, i32
  }
  func.func @transform_1(%arg0: i32, %arg1: i32) -> (i32, i32) {
    %c0_i32 = arith.constant 0 : i32
    %c0_i32_0 = arith.constant 0 : i32
    %c0_i32_1 = arith.constant 0 : i32
    return %c0_i32, %c0_i32_0 : i32, i32
  }
  func.func @transform_2(%arg0: i32, %arg1: i32) -> (i32, i32, i32, i32) {
    %c0_i32 = arith.constant 0 : i32
    %c0_i32_0 = arith.constant 0 : i32
    %c0_i32_1 = arith.constant 0 : i32
    return %arg0, %arg1, %c0_i32, %c0_i32_0 : i32, i32, i32, i32
  }
}

module attributes {stable_mosaic.version = 14 : i64} {
  func.func @_topk_body(%arg0: i32, %arg1: memref<1x1x4096xf32, #tpu.memory_space<vmem>>, %arg2: memref<1x4096x1xf32, #tpu.memory_space<vmem>>, %arg3: memref<1x1x1024xi32, #tpu.memory_space<vmem>>) attributes {dimension_semantics = [#tpu.dimension_semantics<arbitrary>], iteration_bounds = array<i64: 4>, scalar_prefetch = 0 : i64, scratch_operands = 0 : i64, tpu.core_type = #tpu.core_type<tc>, window_params = [{transform_indices = @transform_0, window_bounds = array<i64: 1, 1, 4096>}, {transform_indices = @transform_1, window_bounds = array<i64: 1, 4096, 1>}, {transform_indices = @transform_2, window_bounds = array<i64: 1, 1, 1024>}]} {
    %get3A = arith.constant 0 : index
    %get3A_0 = arith.constant 0 : index
    %get3A_1 = arith.constant 0 : index
    %get3A_2 = vector.load %arg1[%get3A, %get3A_0, %get3A_1] : memref<1x1x4096xf32, #tpu.memory_space<vmem>>, vector<1x1x4096xf32>
    %get3A_3 = vector.shape_cast %get3A_2 : vector<1x1x4096xf32> to vector<1x4096xf32>
    %iota3A = tpu.iota {dimensions = array<i32: 1>} : vector<1x4096xi32>
    %iota3A_4 = tpu.iota {dimensions = array<i32: 1>} : vector<1x1024xi32>
    %convert_element_type3A = arith.sitofp %iota3A_4 : vector<1x1024xi32> to vector<1x1024xf32>
    %broadcast_in_dim3A = arith.constant 0.000000e+00 : f32
    %broadcast_in_dim3A_5 = vector.broadcast %broadcast_in_dim3A : f32 to vector<1x1024xf32>
    %scan3A = arith.constant 0 : i32
    %scan3A_6 = arith.constant 8 : i32
    %scan3A_7 = arith.addi %scan3A, %scan3A_6 : i32
    %scan3A_8 = arith.constant 1 : i32
    %scan3A_9 = scf.for %scan3A_20 = %scan3A to %scan3A_7 step %scan3A_8 iter_args(%scan3A_21 = %broadcast_in_dim3A_5) -> (vector<1x1024xf32>)  : i32 {
      %mul3A_22 = arith.constant 512 : i32
      %mul3A_23 = arith.muli %scan3A_20, %mul3A_22 : i32
      %get3A_24 = arith.constant 0 : index
      %get3A_25 = arith.index_cast %mul3A_23 : i32 to index
      %get3A_26 = arith.constant 0 : index
      %get3A_27 = vector.load %arg2[%get3A_24, %get3A_25, %get3A_26] : memref<1x4096x1xf32, #tpu.memory_space<vmem>>, vector<1x512x1xf32>
      %get3A_28 = vector.shape_cast %get3A_27 : vector<1x512x1xf32> to vector<512x1xf32>
      %mul3A_29 = arith.constant 512 : i32
      %mul3A_30 = arith.muli %scan3A_20, %mul3A_29 : i32
      %iota3A_31 = tpu.iota {dimensions = array<i32: 0>} : vector<512x1xi32>
      %add3A_32 = vector.broadcast %mul3A_30 : i32 to vector<512x1xi32>
      %add3A_33 = arith.addi %add3A_32, %iota3A_31 : vector<512x1xi32>
      %gt3A = vector.broadcast %get3A_3 : vector<1x4096xf32> to vector<512x4096xf32>
      %gt3A_34 = vector.broadcast %get3A_28 : vector<512x1xf32> to vector<512x4096xf32>
      %gt3A_35 = arith.cmpf ogt, %gt3A, %gt3A_34 : vector<512x4096xf32>
      %eq3A = vector.broadcast %get3A_3 : vector<1x4096xf32> to vector<512x4096xf32>
      %eq3A_36 = vector.broadcast %get3A_28 : vector<512x1xf32> to vector<512x4096xf32>
      %eq3A_37 = arith.cmpf oeq, %eq3A, %eq3A_36 : vector<512x4096xf32>
      %lt3A = vector.broadcast %iota3A : vector<1x4096xi32> to vector<512x4096xi32>
      %lt3A_38 = vector.broadcast %add3A_33 : vector<512x1xi32> to vector<512x4096xi32>
      %lt3A_39 = arith.cmpi slt, %lt3A, %lt3A_38 : vector<512x4096xi32>
      %and3A = arith.andi %eq3A_37, %lt3A_39 : vector<512x4096xi1>
      %or3A = arith.ori %gt3A_35, %and3A : vector<512x4096xi1>
      %jit3A = arith.constant 1.000000e+00 : f32
      %jit3A_40 = arith.constant 0.000000e+00 : f32
      %broadcast_in_dim3A_41 = vector.broadcast %jit3A : f32 to vector<512x4096xf32>
      %broadcast_in_dim3A_42 = vector.broadcast %jit3A_40 : f32 to vector<512x4096xf32>
      %select_n3A = arith.select %or3A, %broadcast_in_dim3A_41, %broadcast_in_dim3A_42 : vector<512x4096xi1>, vector<512x4096xf32>
      %reduce_sum3A = arith.constant dense<0.000000e+00> : vector<512xf32>
      %reduce_sum3A_43 = vector.multi_reduction <add>, %select_n3A, %reduce_sum3A [1] : vector<512x4096xf32> to vector<512xf32>
      %broadcast_in_dim3A_44 = vector.shape_cast %reduce_sum3A_43 : vector<512xf32> to vector<512x1xf32>
      %eq3A_45 = vector.broadcast %broadcast_in_dim3A_44 : vector<512x1xf32> to vector<512x1024xf32>
      %eq3A_46 = vector.broadcast %convert_element_type3A : vector<1x1024xf32> to vector<512x1024xf32>
      %eq3A_47 = arith.cmpf oeq, %eq3A_45, %eq3A_46 : vector<512x1024xf32>
      %convert_element_type3A_48 = arith.sitofp %add3A_33 : vector<512x1xi32> to vector<512x1xf32>
      %jit3A_49 = arith.constant 0.000000e+00 : f32
      %broadcast_in_dim3A_50 = vector.shape_cast %convert_element_type3A_48 : vector<512x1xf32> to vector<512x1xf32>
      %broadcast_in_dim3A_51 = vector.broadcast %broadcast_in_dim3A_50 : vector<512x1xf32> to vector<512x1024xf32>
      %broadcast_in_dim3A_52 = vector.broadcast %jit3A_49 : f32 to vector<512x1024xf32>
      %select_n3A_53 = arith.select %eq3A_47, %broadcast_in_dim3A_51, %broadcast_in_dim3A_52 : vector<512x1024xi1>, vector<512x1024xf32>
      %reduce_sum3A_54 = arith.constant dense<0.000000e+00> : vector<1024xf32>
      %reduce_sum3A_55 = vector.multi_reduction <add>, %select_n3A_53, %reduce_sum3A_54 [0] : vector<512x1024xf32> to vector<1024xf32>
      %broadcast_in_dim3A_56 = vector.shape_cast %reduce_sum3A_55 : vector<1024xf32> to vector<1x1024xf32>
      %add3A_57 = arith.addf %scan3A_21, %broadcast_in_dim3A_56 : vector<1x1024xf32>
      scf.yield %add3A_57 : vector<1x1024xf32>
    }
    %scan3A_10 = arith.constant 8 : i32
    %mul3A = arith.constant 4096 : i32
    %mul3A_11 = arith.muli %arg0, %mul3A : i32
    %convert_element_type3A_12 = arith.sitofp %mul3A_11 : i32 to f32
    %add3A = vector.broadcast %convert_element_type3A_12 : f32 to vector<1x1024xf32>
    %add3A_13 = arith.addf %scan3A_9, %add3A : vector<1x1024xf32>
    %convert_element_type3A_14 = arith.fptosi %add3A_13 : vector<1x1024xf32> to vector<1x1024xi32>
    %swap3A = arith.constant 0 : index
    %swap3A_15 = arith.constant 0 : index
    %swap3A_16 = arith.constant 0 : index
    %swap3A_17 = vector.load %arg3[%swap3A, %swap3A_15, %swap3A_16] : memref<1x1x1024xi32, #tpu.memory_space<vmem>>, vector<1x1x1024xi32>
    %swap3A_18 = vector.shape_cast %swap3A_17 : vector<1x1x1024xi32> to vector<1x1024xi32>
    %swap3A_19 = vector.shape_cast %convert_element_type3A_14 : vector<1x1024xi32> to vector<1x1x1024xi32>
    tpu.vector_store %arg3[%swap3A, %swap3A_15, %swap3A_16], %swap3A_19 {strides = array<i32>} : memref<1x1x1024xi32, #tpu.memory_space<vmem>>, vector<1x1x1024xi32>,
    return
  }
  func.func @transform_0(%arg0: i32) -> (i32, i32, i32) {
    %c0_i32 = arith.constant 0 : i32
    %c0_i32_0 = arith.constant 0 : i32
    %c0_i32_1 = arith.constant 0 : i32
    return %arg0, %c0_i32, %c0_i32_0 : i32, i32, i32
  }
  func.func @transform_1(%arg0: i32) -> (i32, i32, i32) {
    %c0_i32 = arith.constant 0 : i32
    %c0_i32_0 = arith.constant 0 : i32
    %c0_i32_1 = arith.constant 0 : i32
    return %arg0, %c0_i32, %c0_i32_0 : i32, i32, i32
  }
  func.func @transform_2(%arg0: i32) -> (i32, i32, i32) {
    %c0_i32 = arith.constant 0 : i32
    %c0_i32_0 = arith.constant 0 : i32
    %c0_i32_1 = arith.constant 0 : i32
    return %arg0, %c0_i32, %c0_i32_0 : i32, i32, i32
  }
}

module attributes {stable_mosaic.version = 14 : i64} {
  func.func @_u_heads_body(%arg0: i32, %arg1: memref<1x1024x1024xf32, #tpu.memory_space<vmem>>, %arg2: memref<1x1x1024xf32, #tpu.memory_space<vmem>>, %arg3: memref<1x1024x1xf32, #tpu.memory_space<vmem>>) attributes {dimension_semantics = [#tpu.dimension_semantics<arbitrary>], iteration_bounds = array<i64: 16>, scalar_prefetch = 0 : i64, scratch_operands = 0 : i64, tpu.core_type = #tpu.core_type<tc>, window_params = [{transform_indices = @transform_0, window_bounds = array<i64: 1, 1024, 1024>}, {transform_indices = @transform_1, window_bounds = array<i64: 1, 1, 1024>}, {transform_indices = @transform_2, window_bounds = array<i64: 1, 1024, 1>}]} {
    %get3A = arith.constant 0 : index
    %get3A_0 = arith.constant 0 : index
    %get3A_1 = arith.constant 0 : index
    %get3A_2 = vector.load %arg1[%get3A, %get3A_0, %get3A_1] : memref<1x1024x1024xf32, #tpu.memory_space<vmem>>, vector<1x1024x1024xf32>
    %get3A_3 = vector.shape_cast %get3A_2 : vector<1x1024x1024xf32> to vector<1024x1024xf32>
    %convert_element_type3A = arith.truncf %get3A_3 : vector<1024x1024xf32> to vector<1024x1024xbf16>
    %convert_element_type3A_4 = arith.extf %convert_element_type3A : vector<1024x1024xbf16> to vector<1024x1024xf32>
    %get3A_5 = arith.constant 0 : index
    %get3A_6 = arith.constant 0 : index
    %get3A_7 = arith.constant 0 : index
    %get3A_8 = vector.load %arg2[%get3A_5, %get3A_6, %get3A_7] : memref<1x1x1024xf32, #tpu.memory_space<vmem>>, vector<1x1x1024xf32>
    %get3A_9 = vector.shape_cast %get3A_8 : vector<1x1x1024xf32> to vector<1x1024xf32>
    %dot_general3A = arith.constant dense<0.000000e+00> : vector<1024x1xf32>
    %dot_general3A_10 = tpu.matmul %convert_element_type3A_4, %get3A_9, %dot_general3A {dimension_numbers = #tpu.dot_dimension_numbers<[1], [1], [0], [0], [0, 0, 1, 0], [], []>, precision = #tpu.contract_precision<fp32>, transpose_lhs_hint = false} : vector<1024x1024xf32>, vector<1x1024xf32>, vector<1024x1xf32> -> vector<1024x1xf32>
    %swap3A = arith.constant 0 : index
    %swap3A_11 = arith.constant 0 : index
    %swap3A_12 = arith.constant 0 : index
    %swap3A_13 = vector.load %arg3[%swap3A, %swap3A_11, %swap3A_12] : memref<1x1024x1xf32, #tpu.memory_space<vmem>>, vector<1x1024x1xf32>
    %swap3A_14 = vector.shape_cast %swap3A_13 : vector<1x1024x1xf32> to vector<1024x1xf32>
    %swap3A_15 = vector.shape_cast %dot_general3A_10 : vector<1024x1xf32> to vector<1x1024x1xf32>
    tpu.vector_store %arg3[%swap3A, %swap3A_11, %swap3A_12], %swap3A_15 {strides = array<i32>} : memref<1x1024x1xf32, #tpu.memory_space<vmem>>, vector<1x1024x1xf32>,
    return
  }
  func.func @transform_0(%arg0: i32) -> (i32, i32, i32) {
    %c0_i32 = arith.constant 0 : i32
    %c0_i32_0 = arith.constant 0 : i32
    %c0_i32_1 = arith.constant 0 : i32
    return %arg0, %c0_i32, %c0_i32_0 : i32, i32, i32
  }
  func.func @transform_1(%arg0: i32) -> (i32, i32, i32) {
    %c0_i32 = arith.constant 0 : i32
    %c0_i32_0 = arith.constant 0 : i32
    %c0_i32_1 = arith.constant 0 : i32
    return %arg0, %c0_i32, %c0_i32_0 : i32, i32, i32
  }
  func.func @transform_2(%arg0: i32) -> (i32, i32, i32) {
    %c0_i32 = arith.constant 0 : i32
    %c0_i32_0 = arith.constant 0 : i32
    %c0_i32_1 = arith.constant 0 : i32
    return %arg0, %c0_i32, %c0_i32_0 : i32, i32, i32
  }
}

module attributes {stable_mosaic.version = 14 : i64} {
  func.func @_attn_body(%arg0: i32, %arg1: memref<1x1024x1024xf32, #tpu.memory_space<vmem>>, %arg2: memref<1024x1024xf32, #tpu.memory_space<vmem>>, %arg3: memref<1x1024xf32, #tpu.memory_space<vmem>>, %arg4: memref<1x1024xf32, #tpu.memory_space<vmem>>, %arg5: memref<16x1024xf32, #tpu.memory_space<vmem>>, %arg6: memref<1x16x1024xf32, #tpu.memory_space<vmem>>, %arg7: memref<1x16x1024xf32, #tpu.memory_space<vmem>>) attributes {dimension_semantics = [#tpu.dimension_semantics<arbitrary>], iteration_bounds = array<i64: 4>, scalar_prefetch = 0 : i64, scratch_operands = 0 : i64, tpu.core_type = #tpu.core_type<tc>, window_params = [{transform_indices = @transform_0, window_bounds = array<i64: 1, 1024, 1024>}, {pipeline_mode = #tpu.pipeline_mode<synchronous>, transform_indices = @transform_1, window_bounds = array<i64: 1024, 1024>}, {pipeline_mode = #tpu.pipeline_mode<synchronous>, transform_indices = @transform_2, window_bounds = array<i64: 1, 1024>}, {pipeline_mode = #tpu.pipeline_mode<synchronous>, transform_indices = @transform_3, window_bounds = array<i64: 1, 1024>}, {pipeline_mode = #tpu.pipeline_mode<synchronous>, transform_indices = @transform_4, window_bounds = array<i64: 16, 1024>}, {transform_indices = @transform_5, window_bounds = array<i64: 1, 16, 1024>}, {transform_indices = @transform_6, window_bounds = array<i64: 1, 16, 1024>}]} {
    %get3A = arith.constant 0 : index
    %get3A_0 = arith.constant 0 : index
    %get3A_1 = arith.constant 0 : index
    %get3A_2 = vector.load %arg1[%get3A, %get3A_0, %get3A_1] : memref<1x1024x1024xf32, #tpu.memory_space<vmem>>, vector<1x1024x1024xf32>
    %get3A_3 = vector.shape_cast %get3A_2 : vector<1x1024x1024xf32> to vector<1024x1024xf32>
    %convert_element_type3A = arith.truncf %get3A_3 : vector<1024x1024xf32> to vector<1024x1024xbf16>
    %get3A_4 = arith.constant 0 : index
    %get3A_5 = arith.constant 0 : index
    %get3A_6 = vector.load %arg2[%get3A_4, %get3A_5] : memref<1024x1024xf32, #tpu.memory_space<vmem>>, vector<1024x1024xf32>
    %convert_element_type3A_7 = arith.truncf %get3A_6 : vector<1024x1024xf32> to vector<1024x1024xbf16>
    %dot_general3A = arith.constant dense<0.000000e+00> : vector<1024x1024xf32>
    %dot_general3A_8 = tpu.matmul %convert_element_type3A, %convert_element_type3A_7, %dot_general3A {dimension_numbers = #tpu.dot_dimension_numbers<[1], [0], [0], [1], [0, 0, 1, 1], [], []>, transpose_lhs_hint = false} : vector<1024x1024xbf16>, vector<1024x1024xbf16>, vector<1024x1024xf32> -> vector<1024x1024xf32>
    %get3A_9 = arith.constant 0 : index
    %get3A_10 = arith.constant 0 : index
    %get3A_11 = vector.load %arg3[%get3A_9, %get3A_10] : memref<1x1024xf32, #tpu.memory_space<vmem>>, vector<1x1024xf32>
    %add3A = vector.broadcast %get3A_11 : vector<1x1024xf32> to vector<1024x1024xf32>
    %add3A_12 = arith.addf %dot_general3A_8, %add3A : vector<1024x1024xf32>
    %get3A_13 = arith.constant 0 : index
    %get3A_14 = arith.constant 0 : index
    %get3A_15 = vector.load %arg4[%get3A_13, %get3A_14] : memref<1x1024xf32, #tpu.memory_space<vmem>>, vector<1x1024xf32>
    %mul3A = vector.broadcast %get3A_15 : vector<1x1024xf32> to vector<1024x1024xf32>
    %mul3A_16 = arith.mulf %add3A_12, %mul3A : vector<1024x1024xf32>
    %get3A_17 = arith.constant 0 : index
    %get3A_18 = arith.constant 0 : index
    %get3A_19 = vector.load %arg5[%get3A_17, %get3A_18] : memref<16x1024xf32, #tpu.memory_space<vmem>>, vector<16x1024xf32>
    %convert_element_type3A_20 = arith.truncf %mul3A_16 : vector<1024x1024xf32> to vector<1024x1024xbf16>
    %convert_element_type3A_21 = arith.extf %convert_element_type3A_20 : vector<1024x1024xbf16> to vector<1024x1024xf32>
    %dot_general3A_22 = arith.constant dense<0.000000e+00> : vector<16x1024xf32>
    %dot_general3A_23 = tpu.matmul %get3A_19, %convert_element_type3A_21, %dot_general3A_22 {dimension_numbers = #tpu.dot_dimension_numbers<[1], [1], [0], [0], [0, 0, 1, 0], [], []>, precision = #tpu.contract_precision<fp32>, transpose_lhs_hint = false} : vector<16x1024xf32>, vector<1024x1024xf32>, vector<16x1024xf32> -> vector<16x1024xf32>
    %reduce_max3A = arith.constant dense<0xFF800000> : vector<16xf32>
    %reduce_max3A_24 = vector.multi_reduction <maximumf>, %dot_general3A_23, %reduce_max3A [1] : vector<16x1024xf32> to vector<16xf32>
    %broadcast_in_dim3A = vector.shape_cast %reduce_max3A_24 : vector<16xf32> to vector<16x1xf32>
    %sub3A = vector.broadcast %broadcast_in_dim3A : vector<16x1xf32> to vector<16x1024xf32>
    %sub3A_25 = arith.subf %dot_general3A_23, %sub3A : vector<16x1024xf32>
    %exp3A = math.exp %sub3A_25 : vector<16x1024xf32>
    %reduce_sum3A = arith.constant dense<0.000000e+00> : vector<16xf32>
    %reduce_sum3A_26 = vector.multi_reduction <add>, %exp3A, %reduce_sum3A [1] : vector<16x1024xf32> to vector<16xf32>
    %broadcast_in_dim3A_27 = vector.shape_cast %reduce_sum3A_26 : vector<16xf32> to vector<16x1xf32>
    %div3A = vector.broadcast %broadcast_in_dim3A_27 : vector<16x1xf32> to vector<16x1024xf32>
    %div3A_28 = arith.divf %exp3A, %div3A : vector<16x1024xf32>
    %swap3A = arith.constant 0 : index
    %swap3A_29 = arith.constant 0 : index
    %swap3A_30 = arith.constant 0 : index
    %swap3A_31 = vector.load %arg7[%swap3A, %swap3A_29, %swap3A_30] : memref<1x16x1024xf32, #tpu.memory_space<vmem>>, vector<1x16x1024xf32>
    %swap3A_32 = vector.shape_cast %swap3A_31 : vector<1x16x1024xf32> to vector<16x1024xf32>
    %swap3A_33 = vector.shape_cast %div3A_28 : vector<16x1024xf32> to vector<1x16x1024xf32>
    tpu.vector_store %arg7[%swap3A, %swap3A_29, %swap3A_30], %swap3A_33 {strides = array<i32>} : memref<1x16x1024xf32, #tpu.memory_space<vmem>>, vector<1x16x1024xf32>,
    %dot_general3A_34 = arith.constant dense<0.000000e+00> : vector<16x1024xf32>
    %dot_general3A_35 = tpu.matmul %div3A_28, %mul3A_16, %dot_general3A_34 {dimension_numbers = #tpu.dot_dimension_numbers<[1], [0], [0], [1], [0, 0, 1, 1], [], []>, precision = #tpu.contract_precision<fp32>, transpose_lhs_hint = false} : vector<16x1024xf32>, vector<1024x1024xf32>, vector<16x1024xf32> -> vector<16x1024xf32>
    %swap3A_36 = arith.constant 0 : index
    %swap3A_37 = arith.constant 0 : index
    %swap3A_38 = arith.constant 0 : index
    %swap3A_39 = vector.load %arg6[%swap3A_36, %swap3A_37, %swap3A_38] : memref<1x16x1024xf32, #tpu.memory_space<vmem>>, vector<1x16x1024xf32>
    %swap3A_40 = vector.shape_cast %swap3A_39 : vector<1x16x1024xf32> to vector<16x1024xf32>
    %swap3A_41 = vector.shape_cast %dot_general3A_35 : vector<16x1024xf32> to vector<1x16x1024xf32>
    tpu.vector_store %arg6[%swap3A_36, %swap3A_37, %swap3A_38], %swap3A_41 {strides = array<i32>} : memref<1x16x1024xf32, #tpu.memory_space<vmem>>, vector<1x16x1024xf32>,
    return
  }
  func.func @transform_0(%arg0: i32) -> (i32, i32, i32) {
    %c0_i32 = arith.constant 0 : i32
    %c0_i32_0 = arith.constant 0 : i32
    %c0_i32_1 = arith.constant 0 : i32
    return %arg0, %c0_i32, %c0_i32_0 : i32, i32, i32
  }
  func.func @transform_1(%arg0: i32) -> (i32, i32) {
    %c0_i32 = arith.constant 0 : i32
    %c0_i32_0 = arith.constant 0 : i32
    %c0_i32_1 = arith.constant 0 : i32
    return %c0_i32, %c0_i32_0 : i32, i32
  }
  func.func @transform_2(%arg0: i32) -> (i32, i32) {
    %c0_i32 = arith.constant 0 : i32
    %c0_i32_0 = arith.constant 0 : i32
    %c0_i32_1 = arith.constant 0 : i32
    return %c0_i32, %c0_i32_0 : i32, i32
  }
  func.func @transform_3(%arg0: i32) -> (i32, i32) {
    %c0_i32 = arith.constant 0 : i32
    %c0_i32_0 = arith.constant 0 : i32
    %c0_i32_1 = arith.constant 0 : i32
    return %c0_i32, %c0_i32_0 : i32, i32
  }
  func.func @transform_4(%arg0: i32) -> (i32, i32) {
    %c0_i32 = arith.constant 0 : i32
    %c0_i32_0 = arith.constant 0 : i32
    %c0_i32_1 = arith.constant 0 : i32
    return %c0_i32, %c0_i32_0 : i32, i32
  }
  func.func @transform_5(%arg0: i32) -> (i32, i32, i32) {
    %c0_i32 = arith.constant 0 : i32
    %c0_i32_0 = arith.constant 0 : i32
    %c0_i32_1 = arith.constant 0 : i32
    return %arg0, %c0_i32, %c0_i32_0 : i32, i32, i32
  }
  func.func @transform_6(%arg0: i32) -> (i32, i32, i32) {
    %c0_i32 = arith.constant 0 : i32
    %c0_i32_0 = arith.constant 0 : i32
    %c0_i32_1 = arith.constant 0 : i32
    return %arg0, %c0_i32, %c0_i32_0 : i32, i32, i32
  }
}

</mosaic_0001>

<sc_bundles>
// kernel: kernel.8.cloned.1.call-start
scs
__scs_entry_jumppad:
0x0: {  	(pc) =	sbr.rel $0x88, $3  }
0x1: {  	(tag) =	ssettag $0x0;
	lr =	simm.s32 $0x1  }
0x2: {  	[smem:$0x3F9B] =	sst lr;
	_ =	strace $0xD0000000  }
0x3: {  	_ = 	snop  }
0x4: {  	_ = 	snop  }
0x5: {  	_ = 	snop  }
0x6: {  	_ = 	snop  }
0x7: {  	_ = 	snop  }
__scs_overlays_trampoline_lowered:
0x8: {  	[smem:$0x3FAA] =	sst s0  }
0x9: {  	[smem:$0x3FAB] =	sst s1  }
0xa: {  	[smem:$0x3FAC] =	sst s2  }
0xb: {  	[smem:$0x3FAD] =	sst s3  }
0xc: {  	[smem:$0x3FAE] =	sst s4  }
0xd: {  	[smem:$0x3FAF] =	sst s5  }
0xe: {  	[smem:$0x3FB0] =	sst s6  }
0xf: {  	[smem:$0x3FB1] =	sst s7  }
0x10: {  	[smem:$0x3FB2] =	sst s8  }
0x11: {  	[smem:$0x3FB3] =	sst s9;
	s0 =	simm.s32 @!p0 $0x0  }
0x12: {  	s1 =	sld [smem:$0x3F99];
	s0 =	simm.s32 @p0 $0x1  }
0x13: {  	[smem:$0x3FB4] =	sst s0;
	s0 =	simm.s32 @!p1 $0x0  }
0x14: {  	s2 =	sld [smem:$0x3F98];
	s0 =	simm.s32 @p1 $0x1  }
0x15: {  	[smem:$0x3FB5] =	sst s0;
	s0 =	simm.s32 @!p2 $0x0  }
0x16: {  	s3 =	sld [smem:$0x3FDB];
	s0 =	simm.s32 @p2 $0x1  }
0x17: {  	s4 =	simm.s32 $0x1BF5;
	[smem:$0x3FB7] =	sst s0  }
0x18: {  	s0 =	sld [smem:$0x3F9A];
	_ =	swait.ge [sflag:s4], $0x0  }
0x19: {  	s7 =	sld [smem:$0x3F9B]  }
0x1a: {  	s8 =	sadd.s32 $0xFFFFE003, lr  }
0x1b: {  	s9 =	sadd.s32 $0xFFFFFEF7, lr;
	s5 =	simm.s32 $0xFFFFFFFF;
	p2 =	slt.u32 s8, $0xFFFFF086  }
0x1c: {  	p1 =	slt.u32 s9, $0xF7A;
	s5 =	simm.s32 @!p2 $0x0  }
0x1d: {  	s5 =	simm.s32 @p1 $0x1;
	p0 =	seq.s32 s7, s2  }
0x1e: {  	s7 =	smul.u32 @!p0 $0xF7A, s2;
	p2 =	seq.s32 @!p0 s5, $0x0  }
0x1f: {  	s9 =	smul.u32 $0xF7A, s1;
	s8 =	simm.s32 @!p0 $0x1BF5;
	p2 =	por !p2, p0  }
0x20: {  	[sflag:s8] =	ssyncset.s32 @!p0 $0xFFFFF086;
	s6 =	sadd.s32 @!p0 s3, s7;
	s7 =	simm.s32 @!p0 $0x108  }
0x21: {  	s3 =	sadd.s32 s3, s9;
	s6 =	sadd.s32 @!p0 $0x88, s6;
	s7 =	simm.s32 @p2 $0x1082  }
0x22: {  	[simem:s7], [sflag:s8] =	dma.local @!p0 [hbm:s6], $0xF7A  }
0x23: {  	s9 =	sor.u32 $0xD0000000, s2;
	s6 =	simm.s32 $0x108;
	_ =	swait.ge @!p0 [sflag:s8], $0x0  }
0x24: {  	s3 =	sadd.s32 $0x88, s3;
	s6 =	simm.s32 @!p1 $0x1082;
	[sflag:s4] =	ssyncset.s32 $0xFFFFF086  }
0x25: {  	[simem:s6], [sflag:s4] =	dma.local [hbm:s3], $0xF7A  }
0x26: {  	[smem:$0x3F9B] =	sst s1;
	(tag) =	ssettag s2;
	_ =	strace s9  }
0x27: {  	s1 =	sld [smem:$0x3FAB]  }
0x28: {  	s2 =	sld [smem:$0x3FAC]  }
0x29: {  	s4 =	sld [smem:$0x3FAE]  }
0x2a: {  	p0 =	seq.s32 s5, $0x0;
	s5 =	sld [smem:$0x3FAF]  }
0x2b: {  	s6 =	sld [smem:$0x3FB0]  }
0x2c: {  	s7 =	sld [smem:$0x3FB1]  }
0x2d: {  	s3 =	simm.s32 $0x108;
	s8 =	sld [smem:$0x3FB2]  }
0x2e: {  	s3 =	simm.s32 @!p0 $0x1082;
	s9 =	sld [smem:$0x3FB3]  }
0x2f: {  	lr =	sadd.s32 s0, s3;
	s0 =	sld [smem:$0x3FAA]  }
0x30: {  	s3 =	sld [smem:$0x3FAD]  }
0x31: {  	[smem:$0x3FB6] =	sst s10  }
0x32: {  	s10 =	sld [smem:$0x3FB4];
	_ =	sdelay $0x3  }
0x33: {  	p0 =	seq.s32 s10, $0x1;
	s10 =	sld [smem:$0x3FB6];
	_ =	sdelay $0x3  }
0x34: {  	[smem:$0x3FB6] =	sst s10  }
0x35: {  	s10 =	sld [smem:$0x3FB5];
	_ =	sdelay $0x3  }
0x36: {  	p1 =	seq.s32 s10, $0x1;
	s10 =	sld [smem:$0x3FB6];
	_ =	sdelay $0x3  }
0x37: {  	[smem:$0x3FB6] =	sst s10  }
0x38: {  	s10 =	sld [smem:$0x3FB7]  }
0x39: {  	_ = 	snop;
	(pc) =	sbr.ind lr, $3  }
0x3a: {  	_ = 	snop  }
0x3b: {  	_ = 	snop  }
0x3c: {  	p2 =	seq.s32 s10, $0x1;
	s10 =	sld [smem:$0x3FB6]  }
0x3d: {  	_ =	shalt  }
0x3e: {  	_ =	shalt  }
0x3f: {  	_ =	shalt  }
0x40: {  	_ =	shalt  }
0x41: {  	_ =	shalt  }
0x42: {  	_ =	shalt  }
0x43: {  	_ =	shalt  }
0x44: {  	_ =	shalt  }
0x45: {  	_ =	shalt  }
0x46: {  	_ =	shalt  }
0x47: {  	_ =	shalt  }
0x48: {  	_ =	shalt  }
0x49: {  	_ =	shalt  }
0x4a: {  	_ =	shalt  }
0x4b: {  	_ =	shalt  }
0x4c: {  	_ =	shalt  }
0x4d: {  	_ =	shalt  }
0x4e: {  	_ =	shalt  }
0x4f: {  	_ =	shalt  }
0x50: {  	_ =	shalt  }
0x51: {  	_ =	shalt  }
0x52: {  	_ =	shalt  }
0x53: {  	_ =	shalt  }
0x54: {  	_ =	shalt  }
0x55: {  	_ =	shalt  }
0x56: {  	_ =	shalt  }
0x57: {  	_ =	shalt  }
0x58: {  	_ =	shalt  }
0x59: {  	_ =	shalt  }
0x5a: {  	_ =	shalt  }
0x5b: {  	_ =	shalt  }
0x5c: {  	_ =	shalt  }
0x5d: {  	_ =	shalt  }
0x5e: {  	_ =	shalt  }
0x5f: {  	_ =	shalt  }
0x60: {  	_ =	shalt  }
0x61: {  	_ =	shalt  }
0x62: {  	_ =	shalt  }
0x63: {  	_ =	shalt  }
0x64: {  	_ =	shalt  }
0x65: {  	_ =	shalt  }
0x66: {  	_ =	shalt  }
0x67: {  	_ =	shalt  }
0x68: {  	_ =	shalt  }
0x69: {  	_ =	shalt  }
0x6a: {  	_ =	shalt  }
0x6b: {  	_ =	shalt  }
0x6c: {  	_ =	shalt  }
0x6d: {  	_ =	shalt  }
0x6e: {  	_ =	shalt  }
0x6f: {  	_ =	shalt  }
0x70: {  	_ =	shalt  }
0x71: {  	_ =	shalt  }
0x72: {  	_ =	shalt  }
0x73: {  	_ =	shalt  }
0x74: {  	_ =	shalt  }
0x75: {  	_ =	shalt  }
0x76: {  	_ =	shalt  }
0x77: {  	_ =	shalt  }
0x78: {  	_ =	shalt  }
0x79: {  	_ =	shalt  }
0x7a: {  	_ =	shalt  }
0x7b: {  	_ =	shalt  }
0x7c: {  	_ =	shalt  }
0x7d: {  	_ =	shalt  }
0x7e: {  	_ =	shalt  }
0x7f: {  	_ =	shalt  }
0x80: {  	_ =	shalt  }
0x81: {  	_ =	shalt  }
0x82: {  	_ =	shalt  }
0x83: {  	_ =	shalt  }
0x84: {  	_ =	shalt  }
0x85: {  	_ =	shalt  }
0x86: {  	_ =	shalt  }
0x87: {  	_ =	shalt  }
.Lfunc_end0:
.L_simem_size_0:
called_computation_lowered:
.L_overlay_start_0:
0x88: {  	s2 =	sld [smem:$0x3FD9]  }
0x89: {  	s3 =	sld [smem:$0x3FFE];
	_ =	sdelay $0x1  }
0x8a: {  	s1 =	srdreg.scid  }
0x8b: {  	s0 =	sand.u32 $0x1, s1  }
0x8c: {  	s14 =	sshll.u32 s0, $0xA;
	s2 =	sadd.s32 s3, s2  }
0x8d: {  	s2 =	sadd.s32 s2, s14  }
0x8e: {  	[smem:$0x3FC2] =	sst s2  }
0x8f: {  	_ = 	snop  }
0x90: {  	s2 =	sld [smem:$0x3FD0];
	_ =	sdelay $0x2  }
0x91: {  	s4 =	simm.s32 $0xA;
	s5 =	simm.s32 $0x10;
	s15 =	sld [smem:$0x3FC9]  }
0x92: {  	[smem:s5], [sflag:s4] =	dma.local [hbm:s2], $0x1  }
0x93: {  	_ =	swait.eq [sflag:s4], $0x1  }
0x94: {  	[sflag:s4] =	ssyncset.done $0x0  }
0x95: {  	[sflag:s4] =	ssyncadd.s32 $0xFFFFFFFF  }
0x96: {  	s16 =	sld [smem:$0x11];
	(tm) =	ssettm $0x1  }
0x97: {  	s17 =	sld [smem:$0x3FFB];
	_ =	sdelay $0x3  }
0x98: {  	_ =	strace s17  }
0x99: {  	s4 =	sld [smem:$0x3FFC];
	_ =	sdelay $0x3  }
0x9a: {  	_ =	strace s4  }
0x9b: {  	s4 =	sld [smem:$0x3FFD];
	_ =	sdelay $0x3  }
0x9c: {  	_ =	strace s4  }
0x9d: {  	_ =	strace $0x8FFFFFFF  }
0x9e: {  	s18 =	sld [smem:$0x3FDB];
	_ =	sdelay $0x1  }
0x9f: {  	s19 =	simm.s32 $_scs_section_size  }
0xa0: {  	s6 =	simm.s32 $_size__tile_overlayer_lowered;
	s7 =	simm.s32 $_tile_overlayer_lowered  }
0xa1: {  	s22 =	simm.s32 $0x1BFF;
	s21 =	sshll.u32 s7, $0x1;
	s4 =	sadd.s32 s19, s18  }
0xa2: {  	s8 =	simm.s32 $0x0;
	s20 =	sshll.u32 s6, $0x1;
	s6 =	sadd.s32 s21, s4  }
0xa3: {  	[timem:s8], [sflag:s22] =	dma.local [hbm:s6], s20  }
0xa4: {  	_ =	swait.ge [sflag:s22], s20  }
0xa5: {  	s5 =	ssub.s32 $0x0, s20;
	[sflag:s22] =	ssyncset.done $0x0  }
0xa6: {  	[sflag:s22] =	ssyncadd.s32 s5;
	_ =	sdelay $0x1  }
0xa7: {  	s23 =	simm.s32 $0x1B8B  }
0xa8: {  	_ =	swait.ge [sflag:s23], $0x1  }
0xa9: {  	[sflag:s23] =	ssyncset.done $0x0  }
0xaa: {  	s25 =	simm.s32 $0x1B8E;
	s24 =	sld [smem:$0x3FFE];
	[sflag:s23] =	ssyncadd.s32 $0xFFFFFFFF  }
0xab: {  	s26 =	simm.s32 $execute0_lowered;
	[smem:$0x3FD2] =	sst s25  }
0xac: {  	s6 =	sshll.u32 s26, $0x1;
	_ =	strace $0x80000046;
	[dreg:$0x1] =	wrdreg $0xFFFFFFFF  }
0xad: {  	s28 =	simm.s32 $_size_execute0_lowered;
	s4 =	sadd.s32 s4, s6;
	[dreg:$0x0] =	wrdreg $0x0  }
0xae: {  	s6 =	sshll.u32 s28, $0x1;
	[dreg:$0x2] =	wrdreg s4  }
0xaf: {  	[dreg:$0x3] =	wrdreg s6  }
0xb0: {  	[dreg:$0x4] =	wrdreg $0xC0  }
0xb1: {  	_ =	task [dreg:s8], $0x5FFFF  }
0xb2: {  	[dreg:$0x1] =	wrdreg $0xFFFFFFFF  }
0xb3: {  	[dreg:$0x0] =	wrdreg $0x60  }
0xb4: {  	[dreg:$0x2] =	wrdreg s15  }
0xb5: {  	[dreg:$0x3] =	wrdreg s16  }
0xb6: {  	[dreg:$0x4] =	wrdreg s24  }
0xb7: {  	[dreg:$0x5] =	wrdreg $0x9  }
0xb8: {  	_ =	task.clear_ibuf [dreg:s8], $0x6FFFF;
	_ =	strace $0x90000046  }
0xb9: {  	s29 =	simm.s32 $0x9;
	_ =	strace $0x80000048  }
0xba: {  	_ =	swait.ge [sflag:s29], $0x1  }
0xbb: {  	[sflag:s29] =	ssyncadd.s32 $0xFFFFFFFF  }
0xbc: {  	_ =	strace $0x90000048  }
0xbd: {  	_ =	sfence  }
0xbe: {  	s30 =	sld [smem:$0x0];
	_ =	sdelay $0x2  }
0xbf: {  	s31 =	sshll.u32 s1, $0xD;
	s1 =	sshrl.u32 s1, $0x2  }
0xc0: {  	s3 =	sand.u32 $0x4000, s31;
	s1 =	sadd.s32 s1, s30  }
0xc1: {  	s0 =	sor.u32 s3, s0;
	s1 =	sshll.u32 s1, $0x11  }
0xc2: {  	s0 =	sor.u32 s1, s0  }
0xc3: {  	s0 =	sadd.s32 $0x8F2B, s0  }
0xc4: {  	[sflag:s0] =	ssyncadd.remote.s32 $0x1  }
0xc5: {  	_ =	sfence.sel $0xFFFF  }
0xc6: {  	[dreg:$0x0] =	wrdreg $0xFFFFFFFF;
	(pc) =	sbr.abs _section_cstart, $3  }
0xc7: {  	[dreg:$0x1] =	wrdreg $0xFFFFFFFF  }
0xc8: {  	_ =	task.clear_ibuf [dreg:s8], $0x2FFFF;
	_ =	strace $0x9FFFFFFF  }
0xc9: {  	(tm) =	ssettm $0x7FFFFFFF  }
tec
execute0_lowered:
.L_overlay_start_1:
0x0: {  	(tag) =	ssettag $0x1  }
0x1: {  	s1 =	rddreg [dreg:$0x0];
	s0 =	srdreg.scid  }
0x2: {  	s2 =	rddreg [dreg:$0x1];
	s3 =	stileid.u32  }
0x3: {  	s4 =	rddreg [dreg:$0x2];
	s18 =	simm.s32 $0x1;
	s20 =	simm.s32 $0x880  }
0x4: {  	s21 =	simm.s32 $0x1080;
	s22 =	simm.s32 $0x1880;
	s23 =	simm.s32 $0x2080  }
0x5: {  	s28 =	simm.s32 $0x4080;
	s29 =	simm.s32 $0x4880;
	s30 =	simm.s32 $0x5080  }
0x6: {  	s31 =	simm.s32 $0x5880;
	s10 =	simm.s32 $0x7080;
	s11 =	simm.s32 $0x7880  }
0x7: {  	s12 =	simm.s32 $0x8080;
	s13 =	simm.s32 $0x8880;
	s14 =	simm.s32 $0x9080  }
0x8: {  	s15 =	simm.s32 $0x9880;
	s16 =	simm.s32 $0xA080;
	s17 =	simm.s32 $0xA880  }
0x9: {  	s0 =	sand.u32 $0x1, s0;
	s5 =	sshll.u32 s3, $0x8;
	s3 =	simm.s32 $0x0  }
0xa: {  	s8 =	sadd.s32 $0x400, s4;
	s4 =	sadd.s32 $0x100, s1;
	s6 =	sshll.u32 s0, $0x7  }
0xb: {  	[smem:$0x7FF] =	sst s3;
	s0 =	ssub.s32 $0x2, s0;
	s5 =	sor.u32 s6, s5  }
0xc: {  	_ =	strace $0x80000047;
	s7 =	sshrl.u32 s0, $0x1;
	s6 =	sshrl.u32 s5, $0x3  }
0xd: {  	s0 =	ssub.s32 s0, s7;
	s24 =	sshll.u32 s5, $0x7;
	s25 =	sor.u32 $0x40, s5  }
0xe: {  	s5 =	sadd.s32 $0x200, s1;
	s6 =	sadd.s32 s2, s6;
	s9 =	sshrl.u32 s25, $0x3  }
0xf: {  	s7 =	sshll.u32 s25, $0x7;
	s25 =	simm.s32 $0x3080;
	[dreg:$0x4] =	wrdreg s6  }
0x10: {  	s6 =	sadd.s32 s8, s24;
	s2 =	sadd.s32 s2, s9;
	s26 =	sadd.s32 s8, s7  }
0x11: {  	v2 =	vlaneseq.u32;
	s7 =	smax.u32 s0, $0x1;
	s8 =	simm.s32 $0x2;
	[dreg:$0x5] =	wrdreg s6  }
0x12: {  	vm0 =	vmmov $0xffff;
	v1 =	vshrl.u32 v2, $0x3;
	s0 =	simm.s32 $0x80;
	s24 =	simm.s32 $0x2880;
	[dreg:$0x6] =	wrdreg s2  }
0x13: {  	v0 =	vand.u32 $0x7, v2;
	v2 =	vor.u32 $0x8, v2;
	v1 =	vmul.u32 $0x8, v1;
	s6 =	sadd.s32 $0x300, s1;
	[dreg:$0x7] =	wrdreg s26;
	s26 =	simm.s32 $0x3880  }
.LBB2_1:
0x14: {  	s19 =	rddreg [dreg:$0x4]  }
0x15: {  	[tilespmem:s3], [sflag:$0x2] =	stream.linear.gather [hbm4b:s19+s3], $0x40, $0x38;
	[tilespmem:$0x10080] =	vst v63  }
0x16: {  	_ =	swait.ge [sflag:s8], $0x40  }
0x17: {  	[sflag:s8] =	ssyncset.done $0x0  }
0x18: {  	[sflag:s8] =	ssyncadd.s32 $0xFFFFFFC0  }
0x19: {  	v3 =	vld [tilespmem:$0x0];
	_ =	sdelay $0x4  }
0x1a: {  	v4 =	vshll.u32 v3, $0x3  }
0x1b: {  	v3 =	vand.u32 $0x7, v3;
	v4 =	vand.u32 $0xFFFFFFC0, v4  }
0x1c: {  	v3 =	vor.u32 v3, v4  }
0x1d: {  	v4 =	vperm.xlane v3, v0;
	_ =	sdelay $0x1  }
0x1e: {  	v4 =	vadd.s32 v1, v4;
	_ =	sdelay $0x4  }
0x1f: {  	[tilespmem:s0], [sflag:$0x1] =	stream.indirect_vreg.gather [hbm4b:s1+s3], $0x80, v4, vm0, $0xb8;
	[tilespmem:$0x10080] =	vst v63  }
0x20: {  	v3 =	vperm.xlane v3, v2  }
0x21: {  	[tilespmem:s20], [sflag:$0x1] =	stream.indirect_vreg.gather [hbm4b:s4+s3], $0x80, v4, vm0, $0xb8;
	[tilespmem:$0x10080] =	vst v63  }
0x22: {  	v3 =	vadd.s32 v1, v3  }
0x23: {  	[tilespmem:s21], [sflag:$0x1] =	stream.indirect_vreg.gather [hbm4b:s5+s3], $0x80, v4, vm0, $0xb8;
	[tilespmem:$0x10080] =	vst v63  }
0x24: {  	_ = 	snop  }
0x25: {  	[tilespmem:s22], [sflag:$0x1] =	stream.indirect_vreg.gather [hbm4b:s6+s3], $0x80, v4, vm0, $0xb8;
	[tilespmem:$0x10080] =	vst v63  }
0x26: {  	_ = 	snop  }
0x27: {  	[tilespmem:s23], [sflag:$0x1] =	stream.indirect_vreg.gather [hbm4b:s1+s3], $0x80, v3, vm0, $0xb8;
	[tilespmem:$0x10080] =	vst v63  }
0x28: {  	_ = 	snop  }
0x29: {  	[tilespmem:s24], [sflag:$0x1] =	stream.indirect_vreg.gather [hbm4b:s4+s3], $0x80, v3, vm0, $0xb8;
	[tilespmem:$0x10080] =	vst v63  }
0x2a: {  	_ = 	snop  }
0x2b: {  	[tilespmem:s25], [sflag:$0x1] =	stream.indirect_vreg.gather [hbm4b:s5+s3], $0x80, v3, vm0, $0xb8;
	[tilespmem:$0x10080] =	vst v63  }
0x2c: {  	_ = 	snop  }
0x2d: {  	[tilespmem:s26], [sflag:$0x1] =	stream.indirect_vreg.gather [hbm4b:s6+s3], $0x80, v3, vm0, $0xb8;
	[tilespmem:$0x10080] =	vst v63  }
0x2e: {  	v3 =	vld [tilespmem:$0x10];
	_ =	sdelay $0x4  }
0x2f: {  	v57 =	vshll.u32 v3, $0x3  }
0x30: {  	v3 =	vand.u32 $0x7, v3;
	v4 =	vand.u32 $0xFFFFFFC0, v57  }
0x31: {  	v3 =	vor.u32 v3, v4  }
0x32: {  	v4 =	vperm.xlane v3, v0;
	_ =	sdelay $0x1  }
0x33: {  	v4 =	vadd.s32 v1, v4;
	_ =	sdelay $0x4  }
0x34: {  	[tilespmem:s28], [sflag:$0x1] =	stream.indirect_vreg.gather [hbm4b:s1+s3], $0x80, v4, vm0, $0xb8;
	[tilespmem:$0x10080] =	vst v63  }
0x35: {  	v3 =	vperm.xlane v3, v2  }
0x36: {  	[tilespmem:s29], [sflag:$0x1] =	stream.indirect_vreg.gather [hbm4b:s4+s3], $0x80, v4, vm0, $0xb8;
	[tilespmem:$0x10080] =	vst v63  }
0x37: {  	v3 =	vadd.s32 v1, v3  }
0x38: {  	[tilespmem:s30], [sflag:$0x1] =	stream.indirect_vreg.gather [hbm4b:s5+s3], $0x80, v4, vm0, $0xb8;
	[tilespmem:$0x10080] =	vst v63  }
0x39: {  	_ = 	snop  }
0x3a: {  	[tilespmem:s31], [sflag:$0x1] =	stream.indirect_vreg.gather [hbm4b:s6+s3], $0x80, v4, vm0, $0xb8;
	[tilespmem:$0x10080] =	vst v63  }
0x3b: {  	s2 =	simm.s32 $0x6080  }
0x3c: {  	[tilespmem:s2], [sflag:$0x1] =	stream.indirect_vreg.gather [hbm4b:s1+s3], $0x80, v3, vm0, $0xb8;
	[tilespmem:$0x10080] =	vst v63  }
0x3d: {  	s9 =	simm.s32 $0x6880  }
0x3e: {  	[tilespmem:s9], [sflag:$0x1] =	stream.indirect_vreg.gather [hbm4b:s4+s3], $0x80, v3, vm0, $0xb8;
	[tilespmem:$0x10080] =	vst v63  }
0x3f: {  	_ = 	snop  }
0x40: {  	[tilespmem:s10], [sflag:$0x1] =	stream.indirect_vreg.gather [hbm4b:s5+s3], $0x80, v3, vm0, $0xb8;
	[tilespmem:$0x10080] =	vst v63  }
0x41: {  	_ = 	snop  }
0x42: {  	[tilespmem:s11], [sflag:$0x1] =	stream.indirect_vreg.gather [hbm4b:s6+s3], $0x80, v3, vm0, $0xb8;
	[tilespmem:$0x10080] =	vst v63  }
0x43: {  	v3 =	vld [tilespmem:$0x20];
	_ =	sdelay $0x4  }
0x44: {  	v58 =	vshll.u32 v3, $0x3  }
0x45: {  	v3 =	vand.u32 $0x7, v3;
	v4 =	vand.u32 $0xFFFFFFC0, v58  }
0x46: {  	v3 =	vor.u32 v3, v4  }
0x47: {  	v4 =	vperm.xlane v3, v0;
	_ =	sdelay $0x1  }
0x48: {  	v4 =	vadd.s32 v1, v4;
	_ =	sdelay $0x4  }
0x49: {  	[tilespmem:s12], [sflag:$0x1] =	stream.indirect_vreg.gather [hbm4b:s1+s3], $0x80, v4, vm0, $0xb8;
	[tilespmem:$0x10080] =	vst v63  }
0x4a: {  	v3 =	vperm.xlane v3, v2  }
0x4b: {  	[tilespmem:s13], [sflag:$0x1] =	stream.indirect_vreg.gather [hbm4b:s4+s3], $0x80, v4, vm0, $0xb8;
	[tilespmem:$0x10080] =	vst v63  }
0x4c: {  	v3 =	vadd.s32 v1, v3  }
0x4d: {  	[tilespmem:s14], [sflag:$0x1] =	stream.indirect_vreg.gather [hbm4b:s5+s3], $0x80, v4, vm0, $0xb8;
	[tilespmem:$0x10080] =	vst v63  }
0x4e: {  	_ = 	snop  }
0x4f: {  	[tilespmem:s15], [sflag:$0x1] =	stream.indirect_vreg.gather [hbm4b:s6+s3], $0x80, v4, vm0, $0xb8;
	[tilespmem:$0x10080] =	vst v63  }
0x50: {  	_ = 	snop  }
0x51: {  	[tilespmem:s16], [sflag:$0x1] =	stream.indirect_vreg.gather [hbm4b:s1+s3], $0x80, v3, vm0, $0xb8;
	[tilespmem:$0x10080] =	vst v63  }
0x52: {  	_ = 	snop  }
0x53: {  	[tilespmem:s17], [sflag:$0x1] =	stream.indirect_vreg.gather [hbm4b:s4+s3], $0x80, v3, vm0, $0xb8;
	[tilespmem:$0x10080] =	vst v63  }
0x54: {  	s9 =	simm.s32 $0xB080  }
0x55: {  	[tilespmem:s9], [sflag:$0x1] =	stream.indirect_vreg.gather [hbm4b:s5+s3], $0x80, v3, vm0, $0xb8;
	[tilespmem:$0x10080] =	vst v63  }
0x56: {  	s19 =	simm.s32 $0xB880  }
0x57: {  	[tilespmem:s19], [sflag:$0x1] =	stream.indirect_vreg.gather [hbm4b:s6+s3], $0x80, v3, vm0, $0xb8;
	[tilespmem:$0x10080] =	vst v63  }
0x58: {  	v3 =	vld [tilespmem:$0x30];
	_ =	sdelay $0x4  }
0x59: {  	v59 =	vshll.u32 v3, $0x3  }
0x5a: {  	v3 =	vand.u32 $0x7, v3;
	v4 =	vand.u32 $0xFFFFFFC0, v59  }
0x5b: {  	v3 =	vor.u32 v3, v4  }
0x5c: {  	v4 =	vperm.xlane v3, v0;
	_ =	sdelay $0x1  }
0x5d: {  	v4 =	vadd.s32 v1, v4;
	_ =	sdelay $0x3  }
0x5e: {  	s19 =	simm.s32 $0xC080  }
0x5f: {  	[tilespmem:s19], [sflag:$0x1] =	stream.indirect_vreg.gather [hbm4b:s1+s3], $0x80, v4, vm0, $0xb8;
	[tilespmem:$0x10080] =	vst v63  }
0x60: {  	v3 =	vperm.xlane v3, v2;
	s19 =	simm.s32 $0xC880  }
0x61: {  	[tilespmem:s19], [sflag:$0x1] =	stream.indirect_vreg.gather [hbm4b:s4+s3], $0x80, v4, vm0, $0xb8;
	[tilespmem:$0x10080] =	vst v63  }
0x62: {  	v3 =	vadd.s32 v1, v3;
	s19 =	simm.s32 $0xD080  }
0x63: {  	[tilespmem:s19], [sflag:$0x1] =	stream.indirect_vreg.gather [hbm4b:s5+s3], $0x80, v4, vm0, $0xb8;
	[tilespmem:$0x10080] =	vst v63  }
0x64: {  	s19 =	simm.s32 $0xD880  }
0x65: {  	[tilespmem:s19], [sflag:$0x1] =	stream.indirect_vreg.gather [hbm4b:s6+s3], $0x80, v4, vm0, $0xb8;
	[tilespmem:$0x10080] =	vst v63  }
0x66: {  	s19 =	simm.s32 $0xE080  }
0x67: {  	[tilespmem:s19], [sflag:$0x1] =	stream.indirect_vreg.gather [hbm4b:s1+s3], $0x80, v3, vm0, $0xb8;
	[tilespmem:$0x10080] =	vst v63  }
0x68: {  	s19 =	simm.s32 $0xE880  }
0x69: {  	[tilespmem:s19], [sflag:$0x1] =	stream.indirect_vreg.gather [hbm4b:s4+s3], $0x80, v3, vm0, $0xb8;
	[tilespmem:$0x10080] =	vst v63  }
0x6a: {  	s19 =	simm.s32 $0xF080  }
0x6b: {  	[tilespmem:s19], [sflag:$0x1] =	stream.indirect_vreg.gather [hbm4b:s5+s3], $0x80, v3, vm0, $0xb8;
	[tilespmem:$0x10080] =	vst v63  }
0x6c: {  	s19 =	simm.s32 $0xF880  }
0x6d: {  	[tilespmem:s19], [sflag:$0x1] =	stream.indirect_vreg.gather [hbm4b:s6+s3], $0x80, v3, vm0, $0xb8;
	[tilespmem:$0x10080] =	vst v63  }
0x6e: {  	_ =	swait.ge [sflag:s18], $0x10000  }
0x6f: {  	[sflag:s18] =	ssyncset.done $0x0  }
0x70: {  	s19 =	rddreg [dreg:$0x5];
	[sflag:s18] =	ssyncadd.s32 $0xFFFF0000  }
0x71: {  	[hbm4b:s19+s3] =	stream.linear.scatter [tilespmem:s0], [sflag:$0x2], $0x10000, $0x38;
	[tilespmem:$0x10080] =	vst v63  }
0x72: {  	_ =	swait.ge [sflag:s8], $0x10000  }
0x73: {  	[sflag:s8] =	ssyncset.done $0x0  }
0x74: {  	s19 =	rddreg [dreg:$0x6];
	[sflag:s8] =	ssyncadd.s32 $0xFFFF0000  }
0x75: {  	[tilespmem:s3], [sflag:$0x2] =	stream.linear.gather [hbm4b:s19+s3], $0x40, $0x38;
	[tilespmem:$0x10080] =	vst v63  }
0x76: {  	_ =	swait.ge [sflag:s8], $0x40  }
0x77: {  	[sflag:s8] =	ssyncset.done $0x0  }
0x78: {  	[sflag:s8] =	ssyncadd.s32 $0xFFFFFFC0  }
0x79: {  	v3 =	vld [tilespmem:$0x0];
	_ =	sdelay $0x4  }
0x7a: {  	v60 =	vshll.u32 v3, $0x3  }
0x7b: {  	v3 =	vand.u32 $0x7, v3;
	v4 =	vand.u32 $0xFFFFFFC0, v60  }
0x7c: {  	v3 =	vor.u32 v3, v4  }
0x7d: {  	v4 =	vperm.xlane v3, v0;
	_ =	sdelay $0x1  }
0x7e: {  	v4 =	vadd.s32 v1, v4;
	_ =	sdelay $0x4  }
0x7f: {  	[tilespmem:s0], [sflag:$0x1] =	stream.indirect_vreg.gather [hbm4b:s1+s3], $0x80, v4, vm0, $0xb8;
	[tilespmem:$0x10080] =	vst v63  }
0x80: {  	v3 =	vperm.xlane v3, v2  }
0x81: {  	[tilespmem:s20], [sflag:$0x1] =	stream.indirect_vreg.gather [hbm4b:s4+s3], $0x80, v4, vm0, $0xb8;
	[tilespmem:$0x10080] =	vst v63  }
0x82: {  	v3 =	vadd.s32 v1, v3  }
0x83: {  	[tilespmem:s21], [sflag:$0x1] =	stream.indirect_vreg.gather [hbm4b:s5+s3], $0x80, v4, vm0, $0xb8;
	[tilespmem:$0x10080] =	vst v63  }
0x84: {  	_ = 	snop  }
0x85: {  	[tilespmem:s22], [sflag:$0x1] =	stream.indirect_vreg.gather [hbm4b:s6+s3], $0x80, v4, vm0, $0xb8;
	[tilespmem:$0x10080] =	vst v63  }
0x86: {  	_ = 	snop  }
0x87: {  	[tilespmem:s23], [sflag:$0x1] =	stream.indirect_vreg.gather [hbm4b:s1+s3], $0x80, v3, vm0, $0xb8;
	[tilespmem:$0x10080] =	vst v63  }
0x88: {  	_ = 	snop  }
0x89: {  	[tilespmem:s24], [sflag:$0x1] =	stream.indirect_vreg.gather [hbm4b:s4+s3], $0x80, v3, vm0, $0xb8;
	[tilespmem:$0x10080] =	vst v63  }
0x8a: {  	_ = 	snop  }
0x8b: {  	[tilespmem:s25], [sflag:$0x1] =	stream.indirect_vreg.gather [hbm4b:s5+s3], $0x80, v3, vm0, $0xb8;
	[tilespmem:$0x10080] =	vst v63  }
0x8c: {  	_ = 	snop  }
0x8d: {  	[tilespmem:s26], [sflag:$0x1] =	stream.indirect_vreg.gather [hbm4b:s6+s3], $0x80, v3, vm0, $0xb8;
	[tilespmem:$0x10080] =	vst v63  }
0x8e: {  	v3 =	vld [tilespmem:$0x10];
	_ =	sdelay $0x4  }
0x8f: {  	v61 =	vshll.u32 v3, $0x3  }
0x90: {  	v3 =	vand.u32 $0x7, v3;
	v4 =	vand.u32 $0xFFFFFFC0, v61  }
0x91: {  	v3 =	vor.u32 v3, v4  }
0x92: {  	v4 =	vperm.xlane v3, v0;
	_ =	sdelay $0x1  }
0x93: {  	v4 =	vadd.s32 v1, v4;
	_ =	sdelay $0x4  }
0x94: {  	[tilespmem:s28], [sflag:$0x1] =	stream.indirect_vreg.gather [hbm4b:s1+s3], $0x80, v4, vm0, $0xb8;
	[tilespmem:$0x10080] =	vst v63  }
0x95: {  	v3 =	vperm.xlane v3, v2  }
0x96: {  	[tilespmem:s29], [sflag:$0x1] =	stream.indirect_vreg.gather [hbm4b:s4+s3], $0x80, v4, vm0, $0xb8;
	[tilespmem:$0x10080] =	vst v63  }
0x97: {  	v3 =	vadd.s32 v1, v3  }
0x98: {  	[tilespmem:s30], [sflag:$0x1] =	stream.indirect_vreg.gather [hbm4b:s5+s3], $0x80, v4, vm0, $0xb8;
	[tilespmem:$0x10080] =	vst v63  }
0x99: {  	_ = 	snop  }
0x9a: {  	[tilespmem:s31], [sflag:$0x1] =	stream.indirect_vreg.gather [hbm4b:s6+s3], $0x80, v4, vm0, $0xb8;
	[tilespmem:$0x10080] =	vst v63  }
0x9b: {  	_ = 	snop  }
0x9c: {  	[tilespmem:s2], [sflag:$0x1] =	stream.indirect_vreg.gather [hbm4b:s1+s3], $0x80, v3, vm0, $0xb8;
	[tilespmem:$0x10080] =	vst v63  }
0x9d: {  	s19 =	simm.s32 $0x6880  }
0x9e: {  	[tilespmem:s19], [sflag:$0x1] =	stream.indirect_vreg.gather [hbm4b:s4+s3], $0x80, v3, vm0, $0xb8;
	[tilespmem:$0x10080] =	vst v63  }
0x9f: {  	_ = 	snop  }
0xa0: {  	[tilespmem:s10], [sflag:$0x1] =	stream.indirect_vreg.gather [hbm4b:s5+s3], $0x80, v3, vm0, $0xb8;
	[tilespmem:$0x10080] =	vst v63  }
0xa1: {  	_ = 	snop  }
0xa2: {  	[tilespmem:s11], [sflag:$0x1] =	stream.indirect_vreg.gather [hbm4b:s6+s3], $0x80, v3, vm0, $0xb8;
	[tilespmem:$0x10080] =	vst v63  }
0xa3: {  	v3 =	vld [tilespmem:$0x20];
	_ =	sdelay $0x4  }
0xa4: {  	v62 =	vshll.u32 v3, $0x3  }
0xa5: {  	v3 =	vand.u32 $0x7, v3;
	v4 =	vand.u32 $0xFFFFFFC0, v62  }
0xa6: {  	v3 =	vor.u32 v3, v4  }
0xa7: {  	v4 =	vperm.xlane v3, v0;
	_ =	sdelay $0x1  }
0xa8: {  	v4 =	vadd.s32 v1, v4;
	_ =	sdelay $0x4  }
0xa9: {  	[tilespmem:s12], [sflag:$0x1] =	stream.indirect_vreg.gather [hbm4b:s1+s3], $0x80, v4, vm0, $0xb8;
	[tilespmem:$0x10080] =	vst v63  }
0xaa: {  	v3 =	vperm.xlane v3, v2  }
0xab: {  	[tilespmem:s13], [sflag:$0x1] =	stream.indirect_vreg.gather [hbm4b:s4+s3], $0x80, v4, vm0, $0xb8;
	[tilespmem:$0x10080] =	vst v63  }
0xac: {  	v3 =	vadd.s32 v1, v3  }
0xad: {  	[tilespmem:s14], [sflag:$0x1] =	stream.indirect_vreg.gather [hbm4b:s5+s3], $0x80, v4, vm0, $0xb8;
	[tilespmem:$0x10080] =	vst v63  }
0xae: {  	_ = 	snop  }
0xaf: {  	[tilespmem:s15], [sflag:$0x1] =	stream.indirect_vreg.gather [hbm4b:s6+s3], $0x80, v4, vm0, $0xb8;
	[tilespmem:$0x10080] =	vst v63  }
0xb0: {  	_ = 	snop  }
0xb1: {  	[tilespmem:s16], [sflag:$0x1] =	stream.indirect_vreg.gather [hbm4b:s1+s3], $0x80, v3, vm0, $0xb8;
	[tilespmem:$0x10080] =	vst v63  }
0xb2: {  	_ = 	snop  }
0xb3: {  	[tilespmem:s17], [sflag:$0x1] =	stream.indirect_vreg.gather [hbm4b:s4+s3], $0x80, v3, vm0, $0xb8;
	[tilespmem:$0x10080] =	vst v63  }
0xb4: {  	_ = 	snop  }
0xb5: {  	[tilespmem:s9], [sflag:$0x1] =	stream.indirect_vreg.gather [hbm4b:s5+s3], $0x80, v3, vm0, $0xb8;
	[tilespmem:$0x10080] =	vst v63  }
0xb6: {  	s19 =	simm.s32 $0xB880  }
0xb7: {  	[tilespmem:s19], [sflag:$0x1] =	stream.indirect_vreg.gather [hbm4b:s6+s3], $0x80, v3, vm0, $0xb8;
	[tilespmem:$0x10080] =	vst v63  }
0xb8: {  	v3 =	vld [tilespmem:$0x30];
	_ =	sdelay $0x4  }
0xb9: {  	v63 =	vshll.u32 v3, $0x3  }
0xba: {  	v3 =	vand.u32 $0x7, v3;
	v4 =	vand.u32 $0xFFFFFFC0, v63  }
0xbb: {  	v3 =	vor.u32 v3, v4  }
0xbc: {  	v4 =	vperm.xlane v3, v0;
	_ =	sdelay $0x1  }
0xbd: {  	v4 =	vadd.s32 v1, v4;
	_ =	sdelay $0x3  }
0xbe: {  	s9 =	simm.s32 $0xC080  }
0xbf: {  	[tilespmem:s9], [sflag:$0x1] =	stream.indirect_vreg.gather [hbm4b:s1+s3], $0x80, v4, vm0, $0xb8;
	[tilespmem:$0x10080] =	vst v63  }
0xc0: {  	s19 =	simm.s32 $0xC880;
	v3 =	vperm.xlane v3, v2  }
0xc1: {  	[tilespmem:s19], [sflag:$0x1] =	stream.indirect_vreg.gather [hbm4b:s4+s3], $0x80, v4, vm0, $0xb8;
	[tilespmem:$0x10080] =	vst v63  }
0xc2: {  	v3 =	vadd.s32 v1, v3;
	s9 =	simm.s32 $0xD080  }
0xc3: {  	[tilespmem:s9], [sflag:$0x1] =	stream.indirect_vreg.gather [hbm4b:s5+s3], $0x80, v4, vm0, $0xb8;
	[tilespmem:$0x10080] =	vst v63  }
0xc4: {  	s19 =	simm.s32 $0xD880  }
0xc5: {  	[tilespmem:s19], [sflag:$0x1] =	stream.indirect_vreg.gather [hbm4b:s6+s3], $0x80, v4, vm0, $0xb8;
	[tilespmem:$0x10080] =	vst v63  }
0xc6: {  	s9 =	simm.s32 $0xE080  }
0xc7: {  	[tilespmem:s9], [sflag:$0x1] =	stream.indirect_vreg.gather [hbm4b:s1+s3], $0x80, v3, vm0, $0xb8;
	[tilespmem:$0x10080] =	vst v63  }
0xc8: {  	s19 =	simm.s32 $0xE880  }
0xc9: {  	[tilespmem:s19], [sflag:$0x1] =	stream.indirect_vreg.gather [hbm4b:s4+s3], $0x80, v3, vm0, $0xb8;
	[tilespmem:$0x10080] =	vst v63  }
0xca: {  	s9 =	simm.s32 $0xF080  }
0xcb: {  	[tilespmem:s9], [sflag:$0x1] =	stream.indirect_vreg.gather [hbm4b:s5+s3], $0x80, v3, vm0, $0xb8;
	[tilespmem:$0x10080] =	vst v63  }
0xcc: {  	s19 =	simm.s32 $0xF880  }
0xcd: {  	[tilespmem:s19], [sflag:$0x1] =	stream.indirect_vreg.gather [hbm4b:s6+s3], $0x80, v3, vm0, $0xb8;
	[tilespmem:$0x10080] =	vst v63  }
0xce: {  	_ =	swait.ge [sflag:s18], $0x10000  }
0xcf: {  	p0 =	sne.s32 s7, $0x1;
	[sflag:s18] =	ssyncset.done $0x0  }
.Ltmp0:
0xd0: {  	s9 =	rddreg [dreg:$0x7];
	[sflag:s18] =	ssyncadd.s32 $0xFFFF0000;
	(pc) =	sbr.rel @p0 .LBB2_1-.Ltmp0, $4  }
0xd1: {  	[hbm4b:s9+s3] =	stream.linear.scatter [tilespmem:s0], [sflag:$0x2], $0x10000, $0x38;
	[tilespmem:$0x10080] =	vst v63  }
0xd2: {  	_ =	swait.ge [sflag:s8], $0x10000  }
0xd3: {  	[sflag:s8] =	ssyncset.done $0x0  }
0xd4: {  	s7 =	sadd.s32 $0xFFFFFFFF, s7;
	[sflag:s8] =	ssyncadd.s32 $0xFFFF0000  }
0xd5: {  	_ =	sfence.sel $0x180000  }
0xd6: {  	[bflag:$0x0] =	sbarrier.arrive $0xFFFF  }
0xd7: {  	_ =	strace $0x90000047  }
0xd8: {  	s0 =	stileid.u32;
	[bflag:$0x2] =	sbarrier.arrive $0xFFFF  }
0xd9: {  	p0 =	sne.s32 s0, $0x0;
	s0 =	rddreg [dreg:$0x3]  }
0xda: {  	s0 =	sadd.s32 @!p0 $0x100000, s0  }
0xdb: {  	[sflag:s0] =	ssyncadd.tile.s32 @!p0 $0x1;
	_ =	shalt  }
.Lfunc_end2:
_tile_overlayer_lowered:
.L_overlay_start_2:
0xdc: {  	(tag) =	ssettag $0x2  }
0xdd: {  	s0 =	rddreg [dreg:$0x0];
	s2 =	stileid.u32  }
0xde: {  	s1 =	rddreg [dreg:$0x1];
	p0 =	sne.s32 s2, $0x0  }
0xdf: {  	s3 =	rddreg [dreg:$0x2];
	[bflag:$0x3] =	sbarrier.arrive $0xFFFF;
	s2 =	simm.s32 @!p0 $0x1C02  }
0xe0: {  	[timem:s3], [sflag:s2] =	dma.local @!p0 [hbm:s0], s1  }
0xe1: {  	s0 =	simm.s32 @!p0 $0x2  }
0xe2: {  	_ =	swait.ge @!p0 [sflag:s0], s1  }
0xe3: {  	s1 =	ssub.s32 @!p0 $0x0, s1;
	[sflag:s0] =	ssyncset.done @!p0 $0x0  }
0xe4: {  	[sflag:s0] =	ssyncadd.s32 @!p0 s1  }
0xe5: {  	[bflag:$0x3] =	sbarrier.arrive $0xFFFF  }
0xe6: {  	_ =	shalt  }

</sc_bundles>
